<compile_context>
chip_gen: v7x
topology: tpu7x:2x2x1
jax: 0.10.2.dev20260603
libtpu: 0.0.44.dev20260713+nightly
codegen_flags: <defaults>
</compile_context>

<pallas_src>
import functools

import jax
import jax.numpy as jnp
from jax import lax
from jax.experimental import pallas as pl
from jax.experimental.pallas import tpu as pltpu
from jax.experimental.pallas import tpu_sc as plsc

_BT = 128
_RB = 512


def _router_body(x_ref, wgt_ref, bgg_ref, tril_ref, eid_ref, rank_ref, cnt_ref):
    e = bgg_ref.shape[1]
    logits = jnp.dot(x_ref[...], wgt_ref[...], preferred_element_type=jnp.float32)
    logits = logits + bgg_ref[...]
    mx = jnp.max(logits, axis=1, keepdims=True)
    ids = lax.broadcasted_iota(jnp.int32, logits.shape, 1)
    eid = jnp.min(jnp.where(logits == mx, ids, e), axis=1)
    eid_ref[0, 0, :] = eid

    onehot = (ids == eid[:, None]).astype(jnp.float32)
    prior = jnp.dot(tril_ref[...], onehot,
                    preferred_element_type=jnp.float32)
    base = jnp.where(pl.program_id(0) == 0, 0.0, cnt_ref[...])
    rank = jnp.sum(onehot * (prior + base), axis=1)
    rank_ref[0, 0, :] = rank.astype(jnp.int32)
    cnt_ref[...] = base + jnp.sum(onehot, axis=0)[None, :]


def _mlp_body(be_ref, x_ref, w1_ref, b1_ref, w2_ref, b2_ref, out_ref):
    h = lax.dot_general(
        x_ref[...].astype(jnp.bfloat16), w1_ref[0],
        (((1,), (1,)), ((), ())),
        preferred_element_type=jnp.float32,
    )
    h = jnp.maximum(h + b1_ref[0], 0.0)
    out = jnp.sum(h * w2_ref[0], axis=1) + b2_ref[0, 0, 0]
    out_ref[0, 0, :] = out


def kernel(x, Wg, bg, W1, b1, W2, b2):
    B, S, D = x.shape
    E = Wg.shape[0]
    T = B * S
    x_flat = x.reshape(T, D)

    g = jax.random.gumbel(jax.random.key(42), (T, E), jnp.float32)
    bgg = bg[None, :] + g
    tril = jnp.tril(jnp.ones((_RB, _RB), jnp.float32), -1)

    n_rb = T // _RB
    eid3, rank3, cnt = pl.pallas_call(
        _router_body,
        grid=(n_rb,),
        in_specs=[
            pl.BlockSpec((_RB, D), lambda i: (i, 0)),
            pl.BlockSpec((D, E), lambda i: (0, 0)),
            pl.BlockSpec((_RB, E), lambda i: (i, 0)),
            pl.BlockSpec((_RB, _RB), lambda i: (0, 0)),
        ],
        out_specs=(
            pl.BlockSpec((1, 1, _RB), lambda i: (i, 0, 0)),
            pl.BlockSpec((1, 1, _RB), lambda i: (i, 0, 0)),
            pl.BlockSpec((1, E), lambda i: (0, 0)),
        ),
        out_shape=(
            jax.ShapeDtypeStruct((n_rb, 1, _RB), jnp.int32),
            jax.ShapeDtypeStruct((n_rb, 1, _RB), jnp.int32),
            jax.ShapeDtypeStruct((1, E), jnp.float32),
        ),
    )(x_flat, Wg.T, bgg, tril)
    eid = eid3.reshape(T)
    rank = rank3.reshape(T)

    counts = cnt.reshape(E).astype(jnp.int32)
    padded = ((counts + _BT - 1) // _BT) * _BT
    p_end = jnp.cumsum(padded)
    dest = (p_end - padded)[eid] + rank

    n_mb = (T + E * (_BT - 1) + _BT - 1) // _BT
    tp = n_mb * _BT
    starts = jnp.arange(n_mb, dtype=jnp.int32) * _BT
    block_expert = jnp.minimum(
        jnp.sum((starts[:, None] >= p_end[None, :]).astype(jnp.int32), axis=1),
        E - 1,
    ).astype(jnp.int32)

    n_workers = 32
    per_w = T // n_workers
    chunk = 32
    n_chunks = per_w // chunk
    dest2 = dest.reshape(T // chunk, chunk)

    @functools.partial(
        pl.kernel,
        mesh=plsc.VectorSubcoreMesh(core_axis_name="c", subcore_axis_name="s"),
        out_type=jax.ShapeDtypeStruct((tp, D), jnp.float32),
        scratch_types=[
            pltpu.VMEM((n_chunks, chunk), jnp.int32),
            pltpu.VMEM((chunk, D), jnp.float32),
            pltpu.VMEM((chunk, D), jnp.float32),
            pltpu.SemaphoreType.DMA,
            pltpu.SemaphoreType.DMA,
            pltpu.SemaphoreType.DMA,
            pltpu.SemaphoreType.DMA,
        ],
    )
    def _sc_scatter(x_hbm, dest_hbm, xpad_hbm, idx_v, rows0_v, rows1_v,
                    sl0, sl1, ss0, ss1):
        wid = lax.axis_index("s") * 2 + lax.axis_index("c")
        base = wid * per_w
        pltpu.sync_copy(dest_hbm.at[pl.ds(wid * n_chunks, n_chunks)], idx_v)
        rows = (rows0_v, rows1_v)
        sl = (sl0, sl1)
        ss = (ss0, ss1)
        ld = [None, None]
        sc = [None, None]
        for c in range(n_chunks):
            b = c % 2
            if sc[b] is not None:
                sc[b].wait()
            ld[b] = pltpu.async_copy(
                x_hbm.at[pl.ds(base + c * chunk, chunk)], rows[b], sl[b])
            ld[b].wait()
            sc[b] = pltpu.async_copy(rows[b], xpad_hbm.at[idx_v.at[c]], ss[b])
        sc[0].wait()
        sc[1].wait()

    x_pad = _sc_scatter(x_flat, dest2)

    out_pad = pl.pallas_call(
        _mlp_body,
        grid_spec=pltpu.PrefetchScalarGridSpec(
            num_scalar_prefetch=1,
            grid=(n_mb,),
            in_specs=[
                pl.BlockSpec((_BT, D), lambda i, be: (i, 0)),
                pl.BlockSpec((1, D, D), lambda i, be: (be[i], 0, 0)),
                pl.BlockSpec((1, 1, D), lambda i, be: (be[i], 0, 0)),
                pl.BlockSpec((1, 1, D), lambda i, be: (be[i], 0, 0)),
                pl.BlockSpec((1, 1, 1), lambda i, be: (be[i], 0, 0)),
            ],
            out_specs=pl.BlockSpec((1, 1, _BT), lambda i, be: (i, 0, 0)),
        ),
        out_shape=jax.ShapeDtypeStruct((n_mb, 1, _BT), jnp.float32),
    )(block_expert, x_pad, W1.astype(jnp.bfloat16), b1.reshape(E, 1, D),
      W2.reshape(E, 1, D), b2.reshape(E, 1, 1))

    final = out_pad.reshape(tp)[dest]
    return final.reshape(B, S, 1)

# --- scband reference (transcript-rebuilt; emitter-appended) ---
"""Pipeline reference for scband-sparse-mo-elayer-70514773066260 (READ-ONLY COPY).

The authoritative reference and input builder live on the scoring server;
editing this copy changes nothing except your own understanding.
"""

import jax, jax.numpy as jnp
import numpy as np

BATCH = 2
SEQ = 2048
D_MODEL = 1024
NUM_EXPERTS = 8


def setup_inputs(seed: int = 0):
    key = jax.random.key(seed)
    ks = jax.random.split(key, 8)
    x = jax.random.normal(ks[0], (BATCH, SEQ, D_MODEL), dtype=jnp.float32)
    s = 1.0 / float(np.sqrt(D_MODEL))
    Wg = jax.random.uniform(ks[1], (NUM_EXPERTS, D_MODEL), minval=-s, maxval=s, dtype=jnp.float32)
    bg = jax.random.uniform(ks[2], (NUM_EXPERTS,), minval=-s, maxval=s, dtype=jnp.float32)
    W1 = jax.random.uniform(ks[3], (NUM_EXPERTS, D_MODEL, D_MODEL), minval=-s, maxval=s, dtype=jnp.float32)
    b1 = jax.random.uniform(ks[4], (NUM_EXPERTS, D_MODEL), minval=-s, maxval=s, dtype=jnp.float32)
    W2 = jax.random.uniform(ks[5], (NUM_EXPERTS, D_MODEL), minval=-s, maxval=s, dtype=jnp.float32)
    b2 = jax.random.uniform(ks[6], (NUM_EXPERTS,), minval=-s, maxval=s, dtype=jnp.float32)
    return {"x": x, "Wg": Wg, "bg": bg, "W1": W1, "b1": b1, "W2": W2, "b2": b2}


def _gumbel_softmax_hard(logits, key, tau=1.0):
    g = jax.random.gumbel(key, logits.shape, dtype=logits.dtype)
    y_soft = jax.nn.softmax((logits + g) / tau, axis=-1)
    idx = jnp.argmax(y_soft, axis=-1)
    y_hard = jax.nn.one_hot(idx, logits.shape[-1], dtype=logits.dtype)
    # straight-through: forward = hard one-hot, backward = soft gradient
    return y_hard + y_soft - jax.lax.stop_gradient(y_soft)


def reference(x, Wg, bg, W1, b1, W2, b2):
    B, S, D = x.shape
    x_flat = x.reshape(-1, D)
    # gating network: Linear(d_model, num_experts)
    router_logits = x_flat @ Wg.T + bg
    gates = _gumbel_softmax_hard(router_logits, jax.random.key(42), tau=1.0)
    # every expert runs on every token (faithful to the reference loop)
    h = jnp.einsum('td,ehd->eth', x_flat, W1) + b1[:, None, :]
    h = jax.nn.relu(h)
    out_e = jnp.einsum('eth,eh->et', h, W2) + b2[:, None]  # [E, T]
    final = jnp.sum(out_e * gates.T, axis=0)  # [T]
    return final.reshape(B, S, 1)

if __name__ == "__main__":
    import jax
    _d = setup_inputs()
    print(jax.jit(kernel)(*tuple(_d.values())))

</pallas_src>

<mosaic_0001>
#map = affine_map<(d0, d1) -> (0, 0)>
module attributes {stable_mosaic.version = 14 : i64} {
  func.func @_sc_scatter(%arg0: i32, %arg1: i32, %arg2: memref<4096x1024xf32, #tpu.memory_space<hbm>>, %arg3: memref<128x32xi32, #tpu.memory_space<hbm>>, %arg4: memref<5120x1024xf32, #tpu.memory_space<hbm>>, %arg5: memref<4x32xi32, #tpu.memory_space<vmem>>, %arg6: memref<32x1024xf32, #tpu.memory_space<vmem>>, %arg7: memref<32x1024xf32, #tpu.memory_space<vmem>>, %arg8: memref<!tpu.dma_semaphore, #tpu.memory_space<semaphore_mem>>, %arg9: memref<!tpu.dma_semaphore, #tpu.memory_space<semaphore_mem>>, %arg10: memref<!tpu.dma_semaphore, #tpu.memory_space<semaphore_mem>>, %arg11: memref<!tpu.dma_semaphore, #tpu.memory_space<semaphore_mem>>) attributes {dimension_semantics = [#tpu.dimension_semantics<core_parallel>, #tpu.dimension_semantics<subcore_parallel>], iteration_bounds = array<i64: 2, 16>, scalar_prefetch = 0 : i64, scratch_operands = 7 : i64, tpu.core_type = #tpu.core_type<sc_vector_subcore>, window_params = [{transform_indices = #map}, {transform_indices = #map}, {transform_indices = #map}]} {
    %mul3A = arith.constant 2 : i32
    %mul3A_0 = arith.muli %arg1, %mul3A : i32
    %add3A = arith.addi %mul3A_0, %arg0 : i32
    %mul3A_1 = arith.constant 128 : i32
    %mul3A_2 = arith.muli %add3A, %mul3A_1 : i32
    %mul3A_3 = arith.constant 4 : i32
    %mul3A_4 = arith.muli %add3A, %mul3A_3 : i32
    "tpu.region"() ({
      %run_scoped3A = tpu.sem_alloc : memref<!tpu.dma_semaphore, #tpu.memory_space<semaphore_mem>>
      %dma_start3A_99 = arith.constant 0 : i32
      %dma_start3A_100 = tpu.memref_slice %arg3[%mul3A_4, %dma_start3A_99] : memref<128x32xi32, #tpu.memory_space<hbm>> -> memref<4x32xi32, #tpu.memory_space<hbm>>
      %dma_start3A_101 = arith.constant 0 : i32
      %dma_start3A_102 = tpu.memref_slice %arg3[%mul3A_4, %dma_start3A_101] : memref<128x32xi32, #tpu.memory_space<hbm>> -> memref<4x32xi32, #tpu.memory_space<hbm>>
      tpu.enqueue_dma source(%dma_start3A_102 : memref<4x32xi32, #tpu.memory_space<hbm>>) target(%arg5 : memref<4x32xi32, #tpu.memory_space<vmem>>) target_semaphore(%run_scoped3A : memref<!tpu.dma_semaphore, #tpu.memory_space<semaphore_mem>>)
      %dma_wait3A_103 = arith.constant 0 : i32
      %dma_wait3A_104 = tpu.memref_slice %arg3[%mul3A_4, %dma_wait3A_103] : memref<128x32xi32, #tpu.memory_space<hbm>> -> memref<4x32xi32, #tpu.memory_space<hbm>>
      %dma_wait3A_105 = arith.constant 0 : i32
      %dma_wait3A_106 = tpu.memref_slice %arg3[%mul3A_4, %dma_wait3A_105] : memref<128x32xi32, #tpu.memory_space<hbm>> -> memref<4x32xi32, #tpu.memory_space<hbm>>
      tpu.wait_dma2 semaphore(%run_scoped3A : memref<!tpu.dma_semaphore, #tpu.memory_space<semaphore_mem>>) src(%dma_wait3A_106 : memref<4x32xi32, #tpu.memory_space<hbm>>) dst(%arg5 : memref<4x32xi32, #tpu.memory_space<vmem>>)
      tpu.yield
    }) : () -> ()
    %add3A_5 = arith.constant 0 : i32
    %add3A_6 = arith.addi %mul3A_2, %add3A_5 : i32
    %dma_start3A = arith.constant 0 : i32
    %dma_start3A_7 = tpu.memref_slice %arg2[%add3A_6, %dma_start3A] : memref<4096x1024xf32, #tpu.memory_space<hbm>> -> memref<32x1024xf32, #tpu.memory_space<hbm>>
    %dma_start3A_8 = arith.constant 0 : i32
    %dma_start3A_9 = tpu.memref_slice %arg2[%add3A_6, %dma_start3A_8] : memref<4096x1024xf32, #tpu.memory_space<hbm>> -> memref<32x1024xf32, #tpu.memory_space<hbm>>
    tpu.enqueue_dma source(%dma_start3A_9 : memref<32x1024xf32, #tpu.memory_space<hbm>>) target(%arg6 : memref<32x1024xf32, #tpu.memory_space<vmem>>) target_semaphore(%arg8 : memref<!tpu.dma_semaphore, #tpu.memory_space<semaphore_mem>>)
    %dma_wait3A = arith.constant 0 : i32
    %dma_wait3A_10 = tpu.memref_slice %arg2[%add3A_6, %dma_wait3A] : memref<4096x1024xf32, #tpu.memory_space<hbm>> -> memref<32x1024xf32, #tpu.memory_space<hbm>>
    %dma_wait3A_11 = arith.constant 0 : i32
    %dma_wait3A_12 = tpu.memref_slice %arg2[%add3A_6, %dma_wait3A_11] : memref<4096x1024xf32, #tpu.memory_space<hbm>> -> memref<32x1024xf32, #tpu.memory_space<hbm>>
    tpu.wait_dma2 semaphore(%arg8 : memref<!tpu.dma_semaphore, #tpu.memory_space<semaphore_mem>>) src(%dma_wait3A_12 : memref<32x1024xf32, #tpu.memory_space<hbm>>) dst(%arg6 : memref<32x1024xf32, #tpu.memory_space<vmem>>)
    %dma_start3A_13 = arith.constant 0 : i32
    %dma_start3A_14 = arith.constant 0 : i32
    %dma_start3A_15 = tpu.memref_slice %arg5[%dma_start3A_13, %dma_start3A_14] : memref<4x32xi32, #tpu.memory_space<vmem>> -> memref<1x32xi32, #tpu.memory_space<vmem>>
    %dma_start3A_16 = tpu.memref_squeeze %dma_start3A_15 : memref<1x32xi32, #tpu.memory_space<vmem>> -> memref<32xi32, #tpu.memory_space<vmem>>
    %dma_start3A_17 = arith.constant 0 : i32
    %dma_start3A_18 = arith.constant 0 : i32
    %dma_start3A_19 = tpu.memref_slice %arg4[%dma_start3A_17, %dma_start3A_18] : memref<5120x1024xf32, #tpu.memory_space<hbm>> -> memref<5120x1024xf32, #tpu.memory_space<hbm>>
    tpu.enqueue_indirect_dma source(%arg6 : memref<32x1024xf32, #tpu.memory_space<vmem>>) target(%dma_start3A_19 : memref<5120x1024xf32, #tpu.memory_space<hbm>>) offsets(%dma_start3A_16 : memref<32xi32, #tpu.memory_space<vmem>>) semaphore(%arg10 : memref<!tpu.dma_semaphore, #tpu.memory_space<semaphore_mem>>)
    %add3A_20 = arith.constant 32 : i32
    %add3A_21 = arith.addi %mul3A_2, %add3A_20 : i32
    %dma_start3A_22 = arith.constant 0 : i32
    %dma_start3A_23 = tpu.memref_slice %arg2[%add3A_21, %dma_start3A_22] : memref<4096x1024xf32, #tpu.memory_space<hbm>> -> memref<32x1024xf32, #tpu.memory_space<hbm>>
    %dma_start3A_24 = arith.constant 0 : i32
    %dma_start3A_25 = tpu.memref_slice %arg2[%add3A_21, %dma_start3A_24] : memref<4096x1024xf32, #tpu.memory_space<hbm>> -> memref<32x1024xf32, #tpu.memory_space<hbm>>
    tpu.enqueue_dma source(%dma_start3A_25 : memref<32x1024xf32, #tpu.memory_space<hbm>>) target(%arg7 : memref<32x1024xf32, #tpu.memory_space<vmem>>) target_semaphore(%arg9 : memref<!tpu.dma_semaphore, #tpu.memory_space<semaphore_mem>>)
    %dma_wait3A_26 = arith.constant 0 : i32
    %dma_wait3A_27 = tpu.memref_slice %arg2[%add3A_21, %dma_wait3A_26] : memref<4096x1024xf32, #tpu.memory_space<hbm>> -> memref<32x1024xf32, #tpu.memory_space<hbm>>
    %dma_wait3A_28 = arith.constant 0 : i32
    %dma_wait3A_29 = tpu.memref_slice %arg2[%add3A_21, %dma_wait3A_28] : memref<4096x1024xf32, #tpu.memory_space<hbm>> -> memref<32x1024xf32, #tpu.memory_space<hbm>>
    tpu.wait_dma2 semaphore(%arg9 : memref<!tpu.dma_semaphore, #tpu.memory_space<semaphore_mem>>) src(%dma_wait3A_29 : memref<32x1024xf32, #tpu.memory_space<hbm>>) dst(%arg7 : memref<32x1024xf32, #tpu.memory_space<vmem>>)
    %dma_start3A_30 = arith.constant 1 : i32
    %dma_start3A_31 = arith.constant 0 : i32
    %dma_start3A_32 = tpu.memref_slice %arg5[%dma_start3A_30, %dma_start3A_31] : memref<4x32xi32, #tpu.memory_space<vmem>> -> memref<1x32xi32, #tpu.memory_space<vmem>>
    %dma_start3A_33 = tpu.memref_squeeze %dma_start3A_32 : memref<1x32xi32, #tpu.memory_space<vmem>> -> memref<32xi32, #tpu.memory_space<vmem>>
    %dma_start3A_34 = arith.constant 0 : i32
    %dma_start3A_35 = arith.constant 0 : i32
    %dma_start3A_36 = tpu.memref_slice %arg4[%dma_start3A_34, %dma_start3A_35] : memref<5120x1024xf32, #tpu.memory_space<hbm>> -> memref<5120x1024xf32, #tpu.memory_space<hbm>>
    tpu.enqueue_indirect_dma source(%arg7 : memref<32x1024xf32, #tpu.memory_space<vmem>>) target(%dma_start3A_36 : memref<5120x1024xf32, #tpu.memory_space<hbm>>) offsets(%dma_start3A_33 : memref<32xi32, #tpu.memory_space<vmem>>) semaphore(%arg11 : memref<!tpu.dma_semaphore, #tpu.memory_space<semaphore_mem>>)
    %dma_wait3A_37 = arith.constant 0 : i32
    %dma_wait3A_38 = arith.constant 0 : i32
    %dma_wait3A_39 = tpu.memref_slice %arg5[%dma_wait3A_37, %dma_wait3A_38] : memref<4x32xi32, #tpu.memory_space<vmem>> -> memref<1x32xi32, #tpu.memory_space<vmem>>
    %dma_wait3A_40 = tpu.memref_squeeze %dma_wait3A_39 : memref<1x32xi32, #tpu.memory_space<vmem>> -> memref<32xi32, #tpu.memory_space<vmem>>
    %dma_wait3A_41 = arith.constant 0 : i32
    %dma_wait3A_42 = arith.constant 0 : i32
    %dma_wait3A_43 = tpu.memref_slice %arg4[%dma_wait3A_41, %dma_wait3A_42] : memref<5120x1024xf32, #tpu.memory_space<hbm>> -> memref<5120x1024xf32, #tpu.memory_space<hbm>>
    tpu.wait_indirect_dma semaphore(%arg10 : memref<!tpu.dma_semaphore, #tpu.memory_space<semaphore_mem>>) src(%arg6 : memref<32x1024xf32, #tpu.memory_space<vmem>>) dst(%dma_wait3A_43 : memref<5120x1024xf32, #tpu.memory_space<hbm>>)
    %add3A_44 = arith.constant 64 : i32
    %add3A_45 = arith.addi %mul3A_2, %add3A_44 : i32
    %dma_start3A_46 = arith.constant 0 : i32
    %dma_start3A_47 = tpu.memref_slice %arg2[%add3A_45, %dma_start3A_46] : memref<4096x1024xf32, #tpu.memory_space<hbm>> -> memref<32x1024xf32, #tpu.memory_space<hbm>>
    %dma_start3A_48 = arith.constant 0 : i32
    %dma_start3A_49 = tpu.memref_slice %arg2[%add3A_45, %dma_start3A_48] : memref<4096x1024xf32, #tpu.memory_space<hbm>> -> memref<32x1024xf32, #tpu.memory_space<hbm>>
    tpu.enqueue_dma source(%dma_start3A_49 : memref<32x1024xf32, #tpu.memory_space<hbm>>) target(%arg6 : memref<32x1024xf32, #tpu.memory_space<vmem>>) target_semaphore(%arg8 : memref<!tpu.dma_semaphore, #tpu.memory_space<semaphore_mem>>)
    %dma_wait3A_50 = arith.constant 0 : i32
    %dma_wait3A_51 = tpu.memref_slice %arg2[%add3A_45, %dma_wait3A_50] : memref<4096x1024xf32, #tpu.memory_space<hbm>> -> memref<32x1024xf32, #tpu.memory_space<hbm>>
    %dma_wait3A_52 = arith.constant 0 : i32
    %dma_wait3A_53 = tpu.memref_slice %arg2[%add3A_45, %dma_wait3A_52] : memref<4096x1024xf32, #tpu.memory_space<hbm>> -> memref<32x1024xf32, #tpu.memory_space<hbm>>
    tpu.wait_dma2 semaphore(%arg8 : memref<!tpu.dma_semaphore, #tpu.memory_space<semaphore_mem>>) src(%dma_wait3A_53 : memref<32x1024xf32, #tpu.memory_space<hbm>>) dst(%arg6 : memref<32x1024xf32, #tpu.memory_space<vmem>>)
    %dma_start3A_54 = arith.constant 2 : i32
    %dma_start3A_55 = arith.constant 0 : i32
    %dma_start3A_56 = tpu.memref_slice %arg5[%dma_start3A_54, %dma_start3A_55] : memref<4x32xi32, #tpu.memory_space<vmem>> -> memref<1x32xi32, #tpu.memory_space<vmem>>
    %dma_start3A_57 = tpu.memref_squeeze %dma_start3A_56 : memref<1x32xi32, #tpu.memory_space<vmem>> -> memref<32xi32, #tpu.memory_space<vmem>>
    %dma_start3A_58 = arith.constant 0 : i32
    %dma_start3A_59 = arith.constant 0 : i32
    %dma_start3A_60 = tpu.memref_slice %arg4[%dma_start3A_58, %dma_start3A_59] : memref<5120x1024xf32, #tpu.memory_space<hbm>> -> memref<5120x1024xf32, #tpu.memory_space<hbm>>
    tpu.enqueue_indirect_dma source(%arg6 : memref<32x1024xf32, #tpu.memory_space<vmem>>) target(%dma_start3A_60 : memref<5120x1024xf32, #tpu.memory_space<hbm>>) offsets(%dma_start3A_57 : memref<32xi32, #tpu.memory_space<vmem>>) semaphore(%arg10 : memref<!tpu.dma_semaphore, #tpu.memory_space<semaphore_mem>>)
    %dma_wait3A_61 = arith.constant 1 : i32
    %dma_wait3A_62 = arith.constant 0 : i32
    %dma_wait3A_63 = tpu.memref_slice %arg5[%dma_wait3A_61, %dma_wait3A_62] : memref<4x32xi32, #tpu.memory_space<vmem>> -> memref<1x32xi32, #tpu.memory_space<vmem>>
    %dma_wait3A_64 = tpu.memref_squeeze %dma_wait3A_63 : memref<1x32xi32, #tpu.memory_space<vmem>> -> memref<32xi32, #tpu.memory_space<vmem>>
    %dma_wait3A_65 = arith.constant 0 : i32
    %dma_wait3A_66 = arith.constant 0 : i32
    %dma_wait3A_67 = tpu.memref_slice %arg4[%dma_wait3A_65, %dma_wait3A_66] : memref<5120x1024xf32, #tpu.memory_space<hbm>> -> memref<5120x1024xf32, #tpu.memory_space<hbm>>
    tpu.wait_indirect_dma semaphore(%arg11 : memref<!tpu.dma_semaphore, #tpu.memory_space<semaphore_mem>>) src(%arg7 : memref<32x1024xf32, #tpu.memory_space<vmem>>) dst(%dma_wait3A_67 : memref<5120x1024xf32, #tpu.memory_space<hbm>>)
    %add3A_68 = arith.constant 96 : i32
    %add3A_69 = arith.addi %mul3A_2, %add3A_68 : i32
    %dma_start3A_70 = arith.constant 0 : i32
    %dma_start3A_71 = tpu.memref_slice %arg2[%add3A_69, %dma_start3A_70] : memref<4096x1024xf32, #tpu.memory_space<hbm>> -> memref<32x1024xf32, #tpu.memory_space<hbm>>
    %dma_start3A_72 = arith.constant 0 : i32
    %dma_start3A_73 = tpu.memref_slice %arg2[%add3A_69, %dma_start3A_72] : memref<4096x1024xf32, #tpu.memory_space<hbm>> -> memref<32x1024xf32, #tpu.memory_space<hbm>>
    tpu.enqueue_dma source(%dma_start3A_73 : memref<32x1024xf32, #tpu.memory_space<hbm>>) target(%arg7 : memref<32x1024xf32, #tpu.memory_space<vmem>>) target_semaphore(%arg9 : memref<!tpu.dma_semaphore, #tpu.memory_space<semaphore_mem>>)
    %dma_wait3A_74 = arith.constant 0 : i32
    %dma_wait3A_75 = tpu.memref_slice %arg2[%add3A_69, %dma_wait3A_74] : memref<4096x1024xf32, #tpu.memory_space<hbm>> -> memref<32x1024xf32, #tpu.memory_space<hbm>>
    %dma_wait3A_76 = arith.constant 0 : i32
    %dma_wait3A_77 = tpu.memref_slice %arg2[%add3A_69, %dma_wait3A_76] : memref<4096x1024xf32, #tpu.memory_space<hbm>> -> memref<32x1024xf32, #tpu.memory_space<hbm>>
    tpu.wait_dma2 semaphore(%arg9 : memref<!tpu.dma_semaphore, #tpu.memory_space<semaphore_mem>>) src(%dma_wait3A_77 : memref<32x1024xf32, #tpu.memory_space<hbm>>) dst(%arg7 : memref<32x1024xf32, #tpu.memory_space<vmem>>)
    %dma_start3A_78 = arith.constant 3 : i32
    %dma_start3A_79 = arith.constant 0 : i32
    %dma_start3A_80 = tpu.memref_slice %arg5[%dma_start3A_78, %dma_start3A_79] : memref<4x32xi32, #tpu.memory_space<vmem>> -> memref<1x32xi32, #tpu.memory_space<vmem>>
    %dma_start3A_81 = tpu.memref_squeeze %dma_start3A_80 : memref<1x32xi32, #tpu.memory_space<vmem>> -> memref<32xi32, #tpu.memory_space<vmem>>
    %dma_start3A_82 = arith.constant 0 : i32
    %dma_start3A_83 = arith.constant 0 : i32
    %dma_start3A_84 = tpu.memref_slice %arg4[%dma_start3A_82, %dma_start3A_83] : memref<5120x1024xf32, #tpu.memory_space<hbm>> -> memref<5120x1024xf32, #tpu.memory_space<hbm>>
    tpu.enqueue_indirect_dma source(%arg7 : memref<32x1024xf32, #tpu.memory_space<vmem>>) target(%dma_start3A_84 : memref<5120x1024xf32, #tpu.memory_space<hbm>>) offsets(%dma_start3A_81 : memref<32xi32, #tpu.memory_space<vmem>>) semaphore(%arg11 : memref<!tpu.dma_semaphore, #tpu.memory_space<semaphore_mem>>)
    %dma_wait3A_85 = arith.constant 2 : i32
    %dma_wait3A_86 = arith.constant 0 : i32
    %dma_wait3A_87 = tpu.memref_slice %arg5[%dma_wait3A_85, %dma_wait3A_86] : memref<4x32xi32, #tpu.memory_space<vmem>> -> memref<1x32xi32, #tpu.memory_space<vmem>>
    %dma_wait3A_88 = tpu.memref_squeeze %dma_wait3A_87 : memref<1x32xi32, #tpu.memory_space<vmem>> -> memref<32xi32, #tpu.memory_space<vmem>>
    %dma_wait3A_89 = arith.constant 0 : i32
    %dma_wait3A_90 = arith.constant 0 : i32
    %dma_wait3A_91 = tpu.memref_slice %arg4[%dma_wait3A_89, %dma_wait3A_90] : memref<5120x1024xf32, #tpu.memory_space<hbm>> -> memref<5120x1024xf32, #tpu.memory_space<hbm>>
    tpu.wait_indirect_dma semaphore(%arg10 : memref<!tpu.dma_semaphore, #tpu.memory_space<semaphore_mem>>) src(%arg6 : memref<32x1024xf32, #tpu.memory_space<vmem>>) dst(%dma_wait3A_91 : memref<5120x1024xf32, #tpu.memory_space<hbm>>)
    %dma_wait3A_92 = arith.constant 3 : i32
    %dma_wait3A_93 = arith.constant 0 : i32
    %dma_wait3A_94 = tpu.memref_slice %arg5[%dma_wait3A_92, %dma_wait3A_93] : memref<4x32xi32, #tpu.memory_space<vmem>> -> memref<1x32xi32, #tpu.memory_space<vmem>>
    %dma_wait3A_95 = tpu.memref_squeeze %dma_wait3A_94 : memref<1x32xi32, #tpu.memory_space<vmem>> -> memref<32xi32, #tpu.memory_space<vmem>>
    %dma_wait3A_96 = arith.constant 0 : i32
    %dma_wait3A_97 = arith.constant 0 : i32
    %dma_wait3A_98 = tpu.memref_slice %arg4[%dma_wait3A_96, %dma_wait3A_97] : memref<5120x1024xf32, #tpu.memory_space<hbm>> -> memref<5120x1024xf32, #tpu.memory_space<hbm>>
    tpu.wait_indirect_dma semaphore(%arg11 : memref<!tpu.dma_semaphore, #tpu.memory_space<semaphore_mem>>) src(%arg7 : memref<32x1024xf32, #tpu.memory_space<vmem>>) dst(%dma_wait3A_98 : memref<5120x1024xf32, #tpu.memory_space<hbm>>)
    return
  }
}

module attributes {stable_mosaic.version = 14 : i64} {
  func.func @_router_body(%arg0: i32, %arg1: memref<512x1024xf32, #tpu.memory_space<vmem>>, %arg2: memref<1024x8xf32, #tpu.memory_space<vmem>>, %arg3: memref<512x8xf32, #tpu.memory_space<vmem>>, %arg4: memref<512x512xf32, #tpu.memory_space<vmem>>, %arg5: memref<1x1x512xi32, #tpu.memory_space<vmem>>, %arg6: memref<1x1x512xi32, #tpu.memory_space<vmem>>, %arg7: memref<1x8xf32, #tpu.memory_space<vmem>>) attributes {dimension_semantics = [#tpu.dimension_semantics<arbitrary>], iteration_bounds = array<i64: 8>, scalar_prefetch = 0 : i64, scratch_operands = 0 : i64, tpu.core_type = #tpu.core_type<tc>, window_params = [{transform_indices = @transform_0, window_bounds = array<i64: 512, 1024>}, {pipeline_mode = #tpu.pipeline_mode<synchronous>, transform_indices = @transform_1, window_bounds = array<i64: 1024, 8>}, {transform_indices = @transform_2, window_bounds = array<i64: 512, 8>}, {pipeline_mode = #tpu.pipeline_mode<synchronous>, transform_indices = @transform_3, window_bounds = array<i64: 512, 512>}, {transform_indices = @transform_4, window_bounds = array<i64: 1, 1, 512>}, {transform_indices = @transform_5, window_bounds = array<i64: 1, 1, 512>}, {pipeline_mode = #tpu.pipeline_mode<synchronous>, transform_indices = @transform_6, window_bounds = array<i64: 1, 8>}]} {
    %get3A = arith.constant 0 : index
    %get3A_0 = arith.constant 0 : index
    %get3A_1 = vector.load %arg1[%get3A, %get3A_0] : memref<512x1024xf32, #tpu.memory_space<vmem>>, vector<512x1024xf32>
    %get3A_2 = arith.constant 0 : index
    %get3A_3 = arith.constant 0 : index
    %get3A_4 = vector.load %arg2[%get3A_2, %get3A_3] : memref<1024x8xf32, #tpu.memory_space<vmem>>, vector<1024x8xf32>
    %dot_general3A = arith.constant dense<0.000000e+00> : vector<512x8xf32>
    %dot_general3A_5 = tpu.matmul %get3A_1, %get3A_4, %dot_general3A {dimension_numbers = #tpu.dot_dimension_numbers<[1], [0], [0], [1], [0, 0, 1, 1], [], []>, transpose_lhs_hint = false} : vector<512x1024xf32>, vector<1024x8xf32>, vector<512x8xf32> -> vector<512x8xf32>
    %get3A_6 = arith.constant 0 : index
    %get3A_7 = arith.constant 0 : index
    %get3A_8 = vector.load %arg3[%get3A_6, %get3A_7] : memref<512x8xf32, #tpu.memory_space<vmem>>, vector<512x8xf32>
    %add3A = arith.addf %dot_general3A_5, %get3A_8 : vector<512x8xf32>
    %reduce_max3A = arith.constant dense<0xFF800000> : vector<512xf32>
    %reduce_max3A_9 = vector.multi_reduction <maximumf>, %add3A, %reduce_max3A [1] : vector<512x8xf32> to vector<512xf32>
    %broadcast_in_dim3A = vector.shape_cast %reduce_max3A_9 : vector<512xf32> to vector<512x1xf32>
    %iota3A = tpu.iota {dimensions = array<i32: 1>} : vector<512x8xi32>
    %eq3A = vector.broadcast %broadcast_in_dim3A : vector<512x1xf32> to vector<512x8xf32>
    %eq3A_10 = arith.cmpf oeq, %add3A, %eq3A : vector<512x8xf32>
    %jit3A = arith.constant 8 : i32
    %broadcast_in_dim3A_11 = vector.broadcast %jit3A : i32 to vector<512x8xi32>
    %select_n3A = arith.select %eq3A_10, %iota3A, %broadcast_in_dim3A_11 : vector<512x8xi1>, vector<512x8xi32>
    %reduce_min3A = arith.constant dense<2147483647> : vector<512xi32>
    %reduce_min3A_12 = vector.multi_reduction <minsi>, %select_n3A, %reduce_min3A [1] : vector<512x8xi32> to vector<512xi32>
    %swap3A = arith.constant 0 : index
    %swap3A_13 = arith.constant 0 : index
    %swap3A_14 = arith.constant 0 : index
    %swap3A_15 = vector.load %arg5[%swap3A, %swap3A_13, %swap3A_14] : memref<1x1x512xi32, #tpu.memory_space<vmem>>, vector<1x1x512xi32>
    %swap3A_16 = vector.shape_cast %swap3A_15 : vector<1x1x512xi32> to vector<512xi32>
    %swap3A_17 = vector.shape_cast %reduce_min3A_12 : vector<512xi32> to vector<1x1x512xi32>
    tpu.vector_store %arg5[%swap3A, %swap3A_13, %swap3A_14], %swap3A_17 {strides = array<i32>} : memref<1x1x512xi32, #tpu.memory_space<vmem>>, vector<1x1x512xi32>,
    %broadcast_in_dim3A_18 = vector.shape_cast %reduce_min3A_12 : vector<512xi32> to vector<512x1xi32>
    %eq3A_19 = vector.broadcast %broadcast_in_dim3A_18 : vector<512x1xi32> to vector<512x8xi32>
    %eq3A_20 = arith.cmpi eq, %iota3A, %eq3A_19 : vector<512x8xi32>
    %convert_element_type3A = arith.extui %eq3A_20 : vector<512x8xi1> to vector<512x8xi32>
    %convert_element_type3A_21 = arith.sitofp %convert_element_type3A : vector<512x8xi32> to vector<512x8xf32>
    %get3A_22 = arith.constant 0 : index
    %get3A_23 = arith.constant 0 : index
    %get3A_24 = vector.load %arg4[%get3A_22, %get3A_23] : memref<512x512xf32, #tpu.memory_space<vmem>>, vector<512x512xf32>
    %dot_general3A_25 = arith.constant dense<0.000000e+00> : vector<512x8xf32>
    %dot_general3A_26 = tpu.matmul %get3A_24, %convert_element_type3A_21, %dot_general3A_25 {dimension_numbers = #tpu.dot_dimension_numbers<[1], [0], [0], [1], [0, 0, 1, 1], [], []>, transpose_lhs_hint = false} : vector<512x512xf32>, vector<512x8xf32>, vector<512x8xf32> -> vector<512x8xf32>
    %eq3A_27 = arith.constant 0 : i32
    %eq3A_28 = arith.cmpi eq, %arg0, %eq3A_27 : i32
    %get3A_29 = arith.constant 0 : index
    %get3A_30 = arith.constant 0 : index
    %get3A_31 = vector.load %arg7[%get3A_29, %get3A_30] : memref<1x8xf32, #tpu.memory_space<vmem>>, vector<1x8xf32>
    %jit3A_32 = arith.constant 0.000000e+00 : f32
    %broadcast_in_dim3A_33 = vector.broadcast %jit3A_32 : f32 to vector<1x8xf32>
    %select_n3A_34 = arith.select %eq3A_28, %broadcast_in_dim3A_33, %get3A_31 : vector<1x8xf32>
    %add3A_35 = vector.broadcast %select_n3A_34 : vector<1x8xf32> to vector<512x8xf32>
    %add3A_36 = arith.addf %dot_general3A_26, %add3A_35 : vector<512x8xf32>
    %mul3A = arith.mulf %convert_element_type3A_21, %add3A_36 : vector<512x8xf32>
    %reduce_sum3A = arith.constant dense<0.000000e+00> : vector<512xf32>
    %reduce_sum3A_37 = vector.multi_reduction <add>, %mul3A, %reduce_sum3A [1] : vector<512x8xf32> to vector<512xf32>
    %convert_element_type3A_38 = arith.fptosi %reduce_sum3A_37 : vector<512xf32> to vector<512xi32>
    %swap3A_39 = arith.constant 0 : index
    %swap3A_40 = arith.constant 0 : index
    %swap3A_41 = arith.constant 0 : index
    %swap3A_42 = vector.load %arg6[%swap3A_39, %swap3A_40, %swap3A_41] : memref<1x1x512xi32, #tpu.memory_space<vmem>>, vector<1x1x512xi32>
    %swap3A_43 = vector.shape_cast %swap3A_42 : vector<1x1x512xi32> to vector<512xi32>
    %swap3A_44 = vector.shape_cast %convert_element_type3A_38 : vector<512xi32> to vector<1x1x512xi32>
    tpu.vector_store %arg6[%swap3A_39, %swap3A_40, %swap3A_41], %swap3A_44 {strides = array<i32>} : memref<1x1x512xi32, #tpu.memory_space<vmem>>, vector<1x1x512xi32>,
    %reduce_sum3A_45 = arith.constant dense<0.000000e+00> : vector<8xf32>
    %reduce_sum3A_46 = vector.multi_reduction <add>, %convert_element_type3A_21, %reduce_sum3A_45 [0] : vector<512x8xf32> to vector<8xf32>
    %broadcast_in_dim3A_47 = vector.shape_cast %reduce_sum3A_46 : vector<8xf32> to vector<1x8xf32>
    %add3A_48 = arith.addf %select_n3A_34, %broadcast_in_dim3A_47 : vector<1x8xf32>
    %swap3A_49 = arith.constant 0 : index
    %swap3A_50 = arith.constant 0 : index
    %swap3A_51 = vector.load %arg7[%swap3A_49, %swap3A_50] : memref<1x8xf32, #tpu.memory_space<vmem>>, vector<1x8xf32>
    tpu.vector_store %arg7[%swap3A_49, %swap3A_50], %add3A_48 {strides = array<i32>} : memref<1x8xf32, #tpu.memory_space<vmem>>, vector<1x8xf32>,
    return
  }
  func.func @transform_0(%arg0: i32) -> (i32, i32) {
    %c0_i32 = arith.constant 0 : i32
    %c0_i32_0 = arith.constant 0 : i32
    return %arg0, %c0_i32 : i32, i32
  }
  func.func @transform_1(%arg0: i32) -> (i32, i32) {
    %c0_i32 = arith.constant 0 : i32
    %c0_i32_0 = arith.constant 0 : i32
    %c0_i32_1 = arith.constant 0 : i32
    return %c0_i32, %c0_i32_0 : i32, i32
  }
  func.func @transform_2(%arg0: i32) -> (i32, i32) {
    %c0_i32 = arith.constant 0 : i32
    %c0_i32_0 = arith.constant 0 : i32
    return %arg0, %c0_i32 : i32, i32
  }
  func.func @transform_3(%arg0: i32) -> (i32, i32) {
    %c0_i32 = arith.constant 0 : i32
    %c0_i32_0 = arith.constant 0 : i32
    %c0_i32_1 = arith.constant 0 : i32
    return %c0_i32, %c0_i32_0 : i32, i32
  }
  func.func @transform_4(%arg0: i32) -> (i32, i32, i32) {
    %c0_i32 = arith.constant 0 : i32
    %c0_i32_0 = arith.constant 0 : i32
    %c0_i32_1 = arith.constant 0 : i32
    return %arg0, %c0_i32, %c0_i32_0 : i32, i32, i32
  }
  func.func @transform_5(%arg0: i32) -> (i32, i32, i32) {
    %c0_i32 = arith.constant 0 : i32
    %c0_i32_0 = arith.constant 0 : i32
    %c0_i32_1 = arith.constant 0 : i32
    return %arg0, %c0_i32, %c0_i32_0 : i32, i32, i32
  }
  func.func @transform_6(%arg0: i32) -> (i32, i32) {
    %c0_i32 = arith.constant 0 : i32
    %c0_i32_0 = arith.constant 0 : i32
    %c0_i32_1 = arith.constant 0 : i32
    return %c0_i32, %c0_i32_0 : i32, i32
  }
}

module attributes {stable_mosaic.version = 14 : i64} {
  func.func @_mlp_body(%arg0: i32, %arg1: memref<40xi32, #tpu.memory_space<smem>>, %arg2: memref<128x1024xf32, #tpu.memory_space<vmem>>, %arg3: memref<1x1024x1024xbf16, #tpu.memory_space<vmem>>, %arg4: memref<1x1x1024xf32, #tpu.memory_space<vmem>>, %arg5: memref<1x1x1024xf32, #tpu.memory_space<vmem>>, %arg6: memref<1x1x1xf32, #tpu.memory_space<vmem>>, %arg7: memref<1x1x128xf32, #tpu.memory_space<vmem>>) attributes {dimension_semantics = [#tpu.dimension_semantics<arbitrary>], iteration_bounds = array<i64: 40>, scalar_prefetch = 1 : i64, scratch_operands = 0 : i64, tpu.core_type = #tpu.core_type<tc>, window_params = [{transform_indices = @transform_0, window_bounds = array<i64: 128, 1024>}, {transform_indices = @transform_1, window_bounds = array<i64: 1, 1024, 1024>}, {transform_indices = @transform_2, window_bounds = array<i64: 1, 1, 1024>}, {transform_indices = @transform_3, window_bounds = array<i64: 1, 1, 1024>}, {transform_indices = @transform_4, window_bounds = array<i64: 1, 1, 1>}, {transform_indices = @transform_5, window_bounds = array<i64: 1, 1, 128>}]} {
    %get3A = arith.constant 0 : index
    %get3A_0 = arith.constant 0 : index
    %get3A_1 = vector.load %arg2[%get3A, %get3A_0] : memref<128x1024xf32, #tpu.memory_space<vmem>>, vector<128x1024xf32>
    %convert_element_type3A = arith.truncf %get3A_1 : vector<128x1024xf32> to vector<128x1024xbf16>
    %get3A_2 = arith.constant 0 : index
    %get3A_3 = arith.constant 0 : index
    %get3A_4 = arith.constant 0 : index
    %get3A_5 = vector.load %arg3[%get3A_2, %get3A_3, %get3A_4] : memref<1x1024x1024xbf16, #tpu.memory_space<vmem>>, vector<1x1024x1024xbf16>
    %get3A_6 = vector.shape_cast %get3A_5 : vector<1x1024x1024xbf16> to vector<1024x1024xbf16>
    %dot_general3A = arith.constant dense<0.000000e+00> : vector<128x1024xf32>
    %dot_general3A_7 = tpu.matmul %convert_element_type3A, %get3A_6, %dot_general3A {dimension_numbers = #tpu.dot_dimension_numbers<[1], [1], [0], [0], [0, 0, 1, 0], [], []>, transpose_lhs_hint = false} : vector<128x1024xbf16>, vector<1024x1024xbf16>, vector<128x1024xf32> -> vector<128x1024xf32>
    %get3A_8 = arith.constant 0 : index
    %get3A_9 = arith.constant 0 : index
    %get3A_10 = arith.constant 0 : index
    %get3A_11 = vector.load %arg4[%get3A_8, %get3A_9, %get3A_10] : memref<1x1x1024xf32, #tpu.memory_space<vmem>>, vector<1x1x1024xf32>
    %get3A_12 = vector.shape_cast %get3A_11 : vector<1x1x1024xf32> to vector<1x1024xf32>
    %add3A = vector.broadcast %get3A_12 : vector<1x1024xf32> to vector<128x1024xf32>
    %add3A_13 = arith.addf %dot_general3A_7, %add3A : vector<128x1024xf32>
    %max3A = arith.constant 0.000000e+00 : f32
    %max3A_14 = vector.broadcast %max3A : f32 to vector<128x1024xf32>
    %max3A_15 = arith.maximumf %add3A_13, %max3A_14 : vector<128x1024xf32>
    %get3A_16 = arith.constant 0 : index
    %get3A_17 = arith.constant 0 : index
    %get3A_18 = arith.constant 0 : index
    %get3A_19 = vector.load %arg5[%get3A_16, %get3A_17, %get3A_18] : memref<1x1x1024xf32, #tpu.memory_space<vmem>>, vector<1x1x1024xf32>
    %get3A_20 = vector.shape_cast %get3A_19 : vector<1x1x1024xf32> to vector<1x1024xf32>
    %mul3A = vector.broadcast %get3A_20 : vector<1x1024xf32> to vector<128x1024xf32>
    %mul3A_21 = arith.mulf %max3A_15, %mul3A : vector<128x1024xf32>
    %reduce_sum3A = arith.constant dense<0.000000e+00> : vector<128xf32>
    %reduce_sum3A_22 = vector.multi_reduction <add>, %mul3A_21, %reduce_sum3A [1] : vector<128x1024xf32> to vector<128xf32>
    %get3A_23 = arith.constant 0 : index
    %get3A_24 = arith.constant 0 : index
    %get3A_25 = arith.constant 0 : index
    %get3A_26 = vector.load %arg6[%get3A_23, %get3A_24, %get3A_25] : memref<1x1x1xf32, #tpu.memory_space<vmem>>, vector<1x1x1xf32>
    %get3A_27 = vector.extract %get3A_26[0, 0, 0] : f32 from vector<1x1x1xf32>
    %add3A_28 = vector.broadcast %get3A_27 : f32 to vector<128xf32>
    %add3A_29 = arith.addf %reduce_sum3A_22, %add3A_28 : vector<128xf32>
    %swap3A = arith.constant 0 : index
    %swap3A_30 = arith.constant 0 : index
    %swap3A_31 = arith.constant 0 : index
    %swap3A_32 = vector.load %arg7[%swap3A, %swap3A_30, %swap3A_31] : memref<1x1x128xf32, #tpu.memory_space<vmem>>, vector<1x1x128xf32>
    %swap3A_33 = vector.shape_cast %swap3A_32 : vector<1x1x128xf32> to vector<128xf32>
    %swap3A_34 = vector.shape_cast %add3A_29 : vector<128xf32> to vector<1x1x128xf32>
    tpu.vector_store %arg7[%swap3A, %swap3A_30, %swap3A_31], %swap3A_34 {strides = array<i32>} : memref<1x1x128xf32, #tpu.memory_space<vmem>>, vector<1x1x128xf32>,
    return
  }
  func.func @transform_0(%arg0: i32, %arg1: memref<40xi32, #tpu.memory_space<smem>>) -> (i32, i32) {
    %c0_i32 = arith.constant 0 : i32
    %c0_i32_0 = arith.constant 0 : i32
    return %arg0, %c0_i32 : i32, i32
  }
  func.func @transform_1(%arg0: i32, %arg1: memref<40xi32, #tpu.memory_space<smem>>) -> (i32, i32, i32) {
    %get3A = arith.index_cast %arg0 : i32 to index
    %get3A_0 = memref.load %arg1[%get3A] : memref<40xi32, #tpu.memory_space<smem>>
    %c0_i32 = arith.constant 0 : i32
    %c0_i32_1 = arith.constant 0 : i32
    %c0_i32_2 = arith.constant 0 : i32
    return %get3A_0, %c0_i32, %c0_i32_1 : i32, i32, i32
  }
  func.func @transform_2(%arg0: i32, %arg1: memref<40xi32, #tpu.memory_space<smem>>) -> (i32, i32, i32) {
    %get3A = arith.index_cast %arg0 : i32 to index
    %get3A_0 = memref.load %arg1[%get3A] : memref<40xi32, #tpu.memory_space<smem>>
    %c0_i32 = arith.constant 0 : i32
    %c0_i32_1 = arith.constant 0 : i32
    %c0_i32_2 = arith.constant 0 : i32
    return %get3A_0, %c0_i32, %c0_i32_1 : i32, i32, i32
  }
  func.func @transform_3(%arg0: i32, %arg1: memref<40xi32, #tpu.memory_space<smem>>) -> (i32, i32, i32) {
    %get3A = arith.index_cast %arg0 : i32 to index
    %get3A_0 = memref.load %arg1[%get3A] : memref<40xi32, #tpu.memory_space<smem>>
    %c0_i32 = arith.constant 0 : i32
    %c0_i32_1 = arith.constant 0 : i32
    %c0_i32_2 = arith.constant 0 : i32
    return %get3A_0, %c0_i32, %c0_i32_1 : i32, i32, i32
  }
  func.func @transform_4(%arg0: i32, %arg1: memref<40xi32, #tpu.memory_space<smem>>) -> (i32, i32, i32) {
    %get3A = arith.index_cast %arg0 : i32 to index
    %get3A_0 = memref.load %arg1[%get3A] : memref<40xi32, #tpu.memory_space<smem>>
    %c0_i32 = arith.constant 0 : i32
    %c0_i32_1 = arith.constant 0 : i32
    %c0_i32_2 = arith.constant 0 : i32
    return %get3A_0, %c0_i32, %c0_i32_1 : i32, i32, i32
  }
  func.func @transform_5(%arg0: i32, %arg1: memref<40xi32, #tpu.memory_space<smem>>) -> (i32, i32, i32) {
    %c0_i32 = arith.constant 0 : i32
    %c0_i32_0 = arith.constant 0 : i32
    %c0_i32_1 = arith.constant 0 : i32
    return %arg0, %c0_i32, %c0_i32_0 : i32, i32, i32
  }
}

</mosaic_0001>

<sc_bundles>
// kernel: gather_offload_async_start
scs
__scs_entry_jumppad:
0x0: {  	(pc) =	sbr.rel $0x88, $3  }
0x1: {  	(tag) =	ssettag $0x0;
	lr =	simm.s32 $0x1  }
0x2: {  	[smem:$0x3F9A] =	sst lr;
	_ =	strace $0xD0000000  }
0x3: {  	_ = 	snop  }
0x4: {  	_ = 	snop  }
0x5: {  	_ = 	snop  }
0x6: {  	_ = 	snop  }
0x7: {  	_ = 	snop  }
__scs_overlays_trampoline_lowered:
0x8: {  	[smem:$0x3FA9] =	sst s0  }
0x9: {  	[smem:$0x3FAA] =	sst s1  }
0xa: {  	[smem:$0x3FAB] =	sst s2  }
0xb: {  	[smem:$0x3FAC] =	sst s3  }
0xc: {  	[smem:$0x3FAD] =	sst s4  }
0xd: {  	[smem:$0x3FAE] =	sst s5  }
0xe: {  	[smem:$0x3FAF] =	sst s6  }
0xf: {  	[smem:$0x3FB0] =	sst s7  }
0x10: {  	[smem:$0x3FB1] =	sst s8  }
0x11: {  	[smem:$0x3FB2] =	sst s9;
	s0 =	simm.s32 @!p0 $0x0  }
0x12: {  	s1 =	sld [smem:$0x3F98];
	s0 =	simm.s32 @p0 $0x1  }
0x13: {  	[smem:$0x3FB3] =	sst s0;
	s0 =	simm.s32 @!p1 $0x0  }
0x14: {  	s2 =	sld [smem:$0x3F97];
	s0 =	simm.s32 @p1 $0x1  }
0x15: {  	[smem:$0x3FB4] =	sst s0;
	s0 =	simm.s32 @!p2 $0x0  }
0x16: {  	s3 =	sld [smem:$0x3FDB];
	s0 =	simm.s32 @p2 $0x1  }
0x17: {  	s4 =	simm.s32 $0x1BF5;
	[smem:$0x3FB6] =	sst s0  }
0x18: {  	s0 =	sld [smem:$0x3F99];
	_ =	swait.ge [sflag:s4], $0x0  }
0x19: {  	s7 =	sld [smem:$0x3F9A]  }
0x1a: {  	s8 =	sadd.s32 $0xFFFFE003, lr  }
0x1b: {  	s9 =	sadd.s32 $0xFFFFFEF7, lr;
	s5 =	simm.s32 $0xFFFFFFFF;
	p2 =	slt.u32 s8, $0xFFFFF086  }
0x1c: {  	p1 =	slt.u32 s9, $0xF7A;
	s5 =	simm.s32 @!p2 $0x0  }
0x1d: {  	s5 =	simm.s32 @p1 $0x1;
	p0 =	seq.s32 s7, s2  }
0x1e: {  	s7 =	smul.u32 @!p0 $0xF7A, s2;
	p2 =	seq.s32 @!p0 s5, $0x0  }
0x1f: {  	s9 =	smul.u32 $0xF7A, s1;
	s8 =	simm.s32 @!p0 $0x1BF5;
	p2 =	por !p2, p0  }
0x20: {  	[sflag:s8] =	ssyncset.s32 @!p0 $0xFFFFF086;
	s6 =	sadd.s32 @!p0 s3, s7;
	s7 =	simm.s32 @!p0 $0x108  }
0x21: {  	s3 =	sadd.s32 s3, s9;
	s6 =	sadd.s32 @!p0 $0x88, s6;
	s7 =	simm.s32 @p2 $0x1082  }
0x22: {  	[simem:s7], [sflag:s8] =	dma.local @!p0 [hbm:s6], $0xF7A  }
0x23: {  	s9 =	sor.u32 $0xD0000000, s2;
	s6 =	simm.s32 $0x108;
	_ =	swait.ge @!p0 [sflag:s8], $0x0  }
0x24: {  	s3 =	sadd.s32 $0x88, s3;
	s6 =	simm.s32 @!p1 $0x1082;
	[sflag:s4] =	ssyncset.s32 $0xFFFFF086  }
0x25: {  	[simem:s6], [sflag:s4] =	dma.local [hbm:s3], $0xF7A  }
0x26: {  	[smem:$0x3F9A] =	sst s1;
	(tag) =	ssettag s2;
	_ =	strace s9  }
0x27: {  	s1 =	sld [smem:$0x3FAA]  }
0x28: {  	s2 =	sld [smem:$0x3FAB]  }
0x29: {  	s4 =	sld [smem:$0x3FAD]  }
0x2a: {  	p0 =	seq.s32 s5, $0x0;
	s5 =	sld [smem:$0x3FAE]  }
0x2b: {  	s6 =	sld [smem:$0x3FAF]  }
0x2c: {  	s7 =	sld [smem:$0x3FB0]  }
0x2d: {  	s3 =	simm.s32 $0x108;
	s8 =	sld [smem:$0x3FB1]  }
0x2e: {  	s3 =	simm.s32 @!p0 $0x1082;
	s9 =	sld [smem:$0x3FB2]  }
0x2f: {  	lr =	sadd.s32 s0, s3;
	s0 =	sld [smem:$0x3FA9]  }
0x30: {  	s3 =	sld [smem:$0x3FAC]  }
0x31: {  	[smem:$0x3FB5] =	sst s10  }
0x32: {  	s10 =	sld [smem:$0x3FB3];
	_ =	sdelay $0x3  }
0x33: {  	p0 =	seq.s32 s10, $0x1;
	s10 =	sld [smem:$0x3FB5];
	_ =	sdelay $0x3  }
0x34: {  	[smem:$0x3FB5] =	sst s10  }
0x35: {  	s10 =	sld [smem:$0x3FB4];
	_ =	sdelay $0x3  }
0x36: {  	p1 =	seq.s32 s10, $0x1;
	s10 =	sld [smem:$0x3FB5];
	_ =	sdelay $0x3  }
0x37: {  	[smem:$0x3FB5] =	sst s10  }
0x38: {  	s10 =	sld [smem:$0x3FB6]  }
0x39: {  	_ = 	snop;
	(pc) =	sbr.ind lr, $3  }
0x3a: {  	_ = 	snop  }
0x3b: {  	_ = 	snop  }
0x3c: {  	p2 =	seq.s32 s10, $0x1;
	s10 =	sld [smem:$0x3FB5]  }
0x3d: {  	_ =	shalt  }
0x3e: {  	_ =	shalt  }
0x3f: {  	_ =	shalt  }
0x40: {  	_ =	shalt  }
0x41: {  	_ =	shalt  }
0x42: {  	_ =	shalt  }
0x43: {  	_ =	shalt  }
0x44: {  	_ =	shalt  }
0x45: {  	_ =	shalt  }
0x46: {  	_ =	shalt  }
0x47: {  	_ =	shalt  }
0x48: {  	_ =	shalt  }
0x49: {  	_ =	shalt  }
0x4a: {  	_ =	shalt  }
0x4b: {  	_ =	shalt  }
0x4c: {  	_ =	shalt  }
0x4d: {  	_ =	shalt  }
0x4e: {  	_ =	shalt  }
0x4f: {  	_ =	shalt  }
0x50: {  	_ =	shalt  }
0x51: {  	_ =	shalt  }
0x52: {  	_ =	shalt  }
0x53: {  	_ =	shalt  }
0x54: {  	_ =	shalt  }
0x55: {  	_ =	shalt  }
0x56: {  	_ =	shalt  }
0x57: {  	_ =	shalt  }
0x58: {  	_ =	shalt  }
0x59: {  	_ =	shalt  }
0x5a: {  	_ =	shalt  }
0x5b: {  	_ =	shalt  }
0x5c: {  	_ =	shalt  }
0x5d: {  	_ =	shalt  }
0x5e: {  	_ =	shalt  }
0x5f: {  	_ =	shalt  }
0x60: {  	_ =	shalt  }
0x61: {  	_ =	shalt  }
0x62: {  	_ =	shalt  }
0x63: {  	_ =	shalt  }
0x64: {  	_ =	shalt  }
0x65: {  	_ =	shalt  }
0x66: {  	_ =	shalt  }
0x67: {  	_ =	shalt  }
0x68: {  	_ =	shalt  }
0x69: {  	_ =	shalt  }
0x6a: {  	_ =	shalt  }
0x6b: {  	_ =	shalt  }
0x6c: {  	_ =	shalt  }
0x6d: {  	_ =	shalt  }
0x6e: {  	_ =	shalt  }
0x6f: {  	_ =	shalt  }
0x70: {  	_ =	shalt  }
0x71: {  	_ =	shalt  }
0x72: {  	_ =	shalt  }
0x73: {  	_ =	shalt  }
0x74: {  	_ =	shalt  }
0x75: {  	_ =	shalt  }
0x76: {  	_ =	shalt  }
0x77: {  	_ =	shalt  }
0x78: {  	_ =	shalt  }
0x79: {  	_ =	shalt  }
0x7a: {  	_ =	shalt  }
0x7b: {  	_ =	shalt  }
0x7c: {  	_ =	shalt  }
0x7d: {  	_ =	shalt  }
0x7e: {  	_ =	shalt  }
0x7f: {  	_ =	shalt  }
0x80: {  	_ =	shalt  }
0x81: {  	_ =	shalt  }
0x82: {  	_ =	shalt  }
0x83: {  	_ =	shalt  }
0x84: {  	_ =	shalt  }
0x85: {  	_ =	shalt  }
0x86: {  	_ =	shalt  }
0x87: {  	_ =	shalt  }
.Lfunc_end0:
.L_simem_size_0:
called_computation_lowered:
.L_overlay_start_0:
0x88: {  	s2 =	sld [smem:$0x3FD9]  }
0x89: {  	s3 =	sld [smem:$0x3FFE];
	_ =	sdelay $0x1  }
0x8a: {  	s1 =	srdreg.scid  }
0x8b: {  	s0 =	sand.u32 $0x1, s1  }
0x8c: {  	s17 =	sshll.u32 s0, $0xA;
	s2 =	sadd.s32 s3, s2  }
0x8d: {  	s2 =	sadd.s32 s2, s17  }
0x8e: {  	[smem:$0x3FC1] =	sst s2  }
0x8f: {  	_ = 	snop  }
0x90: {  	s2 =	sld [smem:$0x3FD0];
	(tm) =	ssettm $0x1  }
0x91: {  	s18 =	sld [smem:$0x3FFB];
	_ =	sdelay $0x3  }
0x92: {  	_ =	strace s18  }
0x93: {  	s3 =	sld [smem:$0x3FFC];
	_ =	sdelay $0x3  }
0x94: {  	_ =	strace s3  }
0x95: {  	s3 =	sld [smem:$0x3FFD];
	_ =	sdelay $0x3  }
0x96: {  	_ =	strace s3  }
0x97: {  	_ =	strace $0x8FFFFFFF  }
0x98: {  	s19 =	sld [smem:$0x3FDB];
	_ =	sdelay $0x1  }
0x99: {  	s4 =	simm.s32 $_scs_section_size  }
0x9a: {  	s5 =	simm.s32 $_size__tile_overlayer_lowered;
	s6 =	simm.s32 $_tile_overlayer_lowered  }
0x9b: {  	s22 =	simm.s32 $0x1BFF;
	s21 =	sshll.u32 s6, $0x1;
	s3 =	sadd.s32 s4, s19  }
0x9c: {  	s7 =	simm.s32 $0x0;
	s20 =	sshll.u32 s5, $0x1;
	s5 =	sadd.s32 s21, s3  }
0x9d: {  	[timem:s7], [sflag:s22] =	dma.local [hbm:s5], s20  }
0x9e: {  	_ =	swait.ge [sflag:s22], s20  }
0x9f: {  	s4 =	ssub.s32 $0x0, s20;
	[sflag:s22] =	ssyncset.done $0x0  }
0xa0: {  	[sflag:s22] =	ssyncadd.s32 s4;
	_ =	sdelay $0x1  }
0xa1: {  	s23 =	simm.s32 $0x1B8B  }
0xa2: {  	_ =	swait.ge [sflag:s23], $0x1  }
0xa3: {  	[sflag:s23] =	ssyncset.done $0x0  }
0xa4: {  	s25 =	simm.s32 $0x1B8E;
	s24 =	sld [smem:$0x3FFE];
	[sflag:s23] =	ssyncadd.s32 $0xFFFFFFFF  }
0xa5: {  	s26 =	simm.s32 $execute0_lowered;
	[smem:$0x3FD2] =	sst s25  }
0xa6: {  	s5 =	sshll.u32 s26, $0x1;
	_ =	strace $0x80000049;
	[dreg:$0x1] =	wrdreg $0xFFFFFFFF  }
0xa7: {  	s28 =	simm.s32 $_size_execute0_lowered;
	s3 =	sadd.s32 s3, s5;
	[dreg:$0x0] =	wrdreg $0x0  }
0xa8: {  	s5 =	sshll.u32 s28, $0x1;
	[dreg:$0x2] =	wrdreg s3  }
0xa9: {  	[dreg:$0x3] =	wrdreg s5  }
0xaa: {  	[dreg:$0x4] =	wrdreg $0xC0  }
0xab: {  	_ =	task [dreg:s7], $0x5FFFF  }
0xac: {  	[dreg:$0x1] =	wrdreg $0xFFFFFFFF  }
0xad: {  	[dreg:$0x0] =	wrdreg $0x60  }
0xae: {  	[dreg:$0x2] =	wrdreg s24  }
0xaf: {  	[dreg:$0x3] =	wrdreg s2  }
0xb0: {  	[dreg:$0x4] =	wrdreg $0x9  }
0xb1: {  	_ =	task.clear_ibuf [dreg:s7], $0x5FFFF;
	_ =	strace $0x90000049  }
0xb2: {  	s29 =	simm.s32 $0x9;
	_ =	strace $0x8000004B  }
0xb3: {  	_ =	swait.ge [sflag:s29], $0x1  }
0xb4: {  	[sflag:s29] =	ssyncadd.s32 $0xFFFFFFFF  }
0xb5: {  	_ =	strace $0x9000004B  }
0xb6: {  	_ =	sfence  }
0xb7: {  	s30 =	sld [smem:$0x0];
	_ =	sdelay $0x2  }
0xb8: {  	s31 =	sshll.u32 s1, $0xD;
	s1 =	sshrl.u32 s1, $0x2  }
0xb9: {  	s3 =	sand.u32 $0x4000, s31;
	s1 =	sadd.s32 s1, s30  }
0xba: {  	s0 =	sor.u32 s3, s0;
	s1 =	sshll.u32 s1, $0x11  }
0xbb: {  	s0 =	sor.u32 s1, s0  }
0xbc: {  	s0 =	sadd.s32 $0x8F2B, s0  }
0xbd: {  	[sflag:s0] =	ssyncadd.remote.s32 $0x1  }
0xbe: {  	_ =	sfence.sel $0xFFFF  }
0xbf: {  	[dreg:$0x0] =	wrdreg $0xFFFFFFFF;
	(pc) =	sbr.abs _section_cstart, $3  }
0xc0: {  	[dreg:$0x1] =	wrdreg $0xFFFFFFFF  }
0xc1: {  	_ =	task.clear_ibuf [dreg:s7], $0x2FFFF;
	_ =	strace $0x9FFFFFFF  }
0xc2: {  	(tm) =	ssettm $0x7FFFFFFF  }
0xc3: {  	_ =	shalt  }
tec
execute0_lowered:
.L_overlay_start_1:
0x0: {  	(tag) =	ssettag $0x1  }
0x1: {  	s1 =	srdreg.scid;
	s5 =	rddreg [dreg:$0x0]  }
0x2: {  	s0 =	stileid.u32;
	s2 =	rddreg [dreg:$0x1];
	s6 =	simm.s32 $0x1  }
0x3: {  	s9 =	simm.s32 $0x1;
	s10 =	simm.s32 $0x3;
	s1 =	sshll.u32 s1, $0x6  }
0x4: {  	s13 =	simm.s32 $0x0;
	s3 =	sshll.u32 s0, $0x7;
	s4 =	sand.u32 $0x40, s1  }
0x5: {  	s12 =	simm.s32 $0x0;
	s1 =	rddreg [dreg:$0x2];
	s3 =	sor.u32 s3, s4  }
0x6: {  	_ =	strace $0x8000004A;
	s4 =	sadd.s32 $0x200, s5;
	s8 =	ssub.s32 $0x1000, s3  }
.Ltmp0:
0x7: {  	s5 =	sadd.s32 $0xA0A00, s5;
	s7 =	sand.u32 $0x7C0, s8;
	(pc) =	sbr.rel .LBB2_1-.Ltmp0, $4  }
0x8: {  	[sflag:s6] =	ssyncpa.u1 $0x0;
	s11 =	smov.u32 s3;
	p0 =	sne.s32 s7, $0x0  }
0x9: {  	s8 =	sshrl.u32 s8, $0xB;
	s7 =	simm.s32 $0x2;
	s9 =	simm.s32 @!p0 $0x0  }
0xa: {  	[sflag:s7] =	ssyncpa.u1 $0x0;
	p0 =	por $0x0, $0x0;
	s8 =	sadd.s32 s9, s8  }
0xb: {  	vm0 =	vmmov $0xffff;
	[sflag:s10] =	ssyncpa.u1 $0x0;
	s10 =	simm.s32 $0x0;
	s9 =	sadd.s32 $0x1, s8  }
.LBB2_4:
0xc: {  	v2 =	vnsel vm1, $0x0, v2  }
0xd: {  	vm1 =	vgt.s32 v0, $0x0;
	v2 =	vmin.u32 v2, $0x13FF  }
0xe: {  	v0 =	vnsel vm1, $0x0, v0  }
0xf: {  	v0 =	vmin.u32 v0, $0x13FF  }
0x10: {  	[tilespmem:s15], [sflag:$0x1] =	stream.indirect_vreg.gather [hbm4b:s4+s10], $0x1, v1, vm0, $0x4038;
	[tilespmem:$0x100] =	vst v63  }
0x11: {  	(ifvalue) =	ssetifvalue $0x7FFFFFFF  }
0x12: {  	[tilespmem:s16], [sflag:$0x1] =	stream.indirect_vreg.gather [hbm4b:s4+s10], $0x1, v2, vm0, $0x4038;
	[tilespmem:$0x100] =	vst v63  }
0x13: {  	s29 =	sadd.s32 $0x10, s16;
	(ifvalue) =	ssetifvalue $0x7FFFFFFF  }
0x14: {  	[tilespmem:s29], [sflag:$0x1] =	stream.indirect_vreg.gather [hbm4b:s4+s10], $0x1, v0, vm0, $0x4038;
	[tilespmem:$0x100] =	vst v63  }
0x15: {  	_ =	swait.ge [sflag:s6], $0x40  }
0x16: {  	s30 =	sshrl.u32 s13, $0x3;
	[sflag:s6] =	ssyncset.done $0x0  }
0x17: {  	s31 =	sand.u32 $0x7, s13;
	s15 =	sadd.s32 s2, s30;
	[sflag:s6] =	ssyncadd.s32 $0xFFFFFFC0  }
0x18: {  	[hbm4b:s15+s31] =	stream.linear.scatter [tilespmem:s14], [sflag:$0x3], $0x40, $0x38;
	[tilespmem:$0x100] =	vst v63  }
.LBB2_5:
0x19: {  	s15 =	sadd.s32 $0x800, s11  }
0x1a: {  	p2 =	sgt.s32 s15, $0xFFF  }
0x1b: {  	s15 =	smov.u32 @p2 s3;
	p2 =	sne.s32 s12, s9  }
.Ltmp1:
0x1c: {  	p1 =	slt.u32 s12, $0x2;
	(pc) =	sbr.rel @!p2 .LBB2_6-.Ltmp1, $4  }
0x1d: {  	s14 =	simm.s32 @!p1 $0x3  }
0x1e: {  	s16 =	sadd.s32 $0x1, s12;
	_ =	swait.ge @!p1 [sflag:s14], $0x40  }
0x1f: {  	s13 =	smov.u32 s11;
	p0 =	por !p0, !p0;
	[sflag:s14] =	ssyncset.done @!p1 $0x0  }
0x20: {  	s12 =	smov.u32 s16;
	s11 =	smov.u32 s15;
	[sflag:s14] =	ssyncadd.s32 @!p1 $0xFFFFFFC0  }
.LBB2_1:
0x21: {  	p1 =	sge.u32 s12, s8  }
0x22: {  	s14 =	sxor.u32 @!p1 $0xFFFFFFFF, s12  }
0x23: {  	s31 =	sadd.s32 $0xFFFFFFFF, s12;
	s15 =	sshrl.u32 @!p1 s11, $0x3;
	s14 =	sshll.u32 @!p1 s14, $0x6  }
0x24: {  	s16 =	sand.u32 @!p1 $0x7, s11;
	s15 =	sadd.s32 @!p1 s5, s15;
	s14 =	sand.u32 @!p1 $0x40, s14  }
0x25: {  	[tilespmem:s14], [sflag:$0x2] =	stream.linear.gather @!p1 [hbm4b:s15+s16], $0x40, $0x38;
	[tilespmem:$0x100] =	vst v63  }
0x26: {  	p1 =	sge.u32 s31, s8  }
.Ltmp2:
0x27: {  	_ = 	snop;
	(pc) =	sbr.rel @p1 .LBB2_5-.Ltmp2, $1  }
0x28: {  	_ =	sdelay $0x3  }
0x29: {  	s14 =	simm.s32 $0x1  }
0x2a: {  	_ =	swait.ge [sflag:s7], $0x40;
	s14 =	simm.s32 @!p0 $0x0  }
0x2b: {  	[sflag:s7] =	ssyncset.done $0x0;
	s14 =	sshll.u32 s14, $0x6  }
0x2c: {  	[sflag:s7] =	ssyncadd.s32 $0xFFFFFFC0;
	(ifvalue) =	ssetifvalue $0x7FFFFFFF;
	v0 =	vld.msk [tilespmem:s14+$0x0 ss:$0x1], $0xffff;
	_ =	sdelay $0x4  }
0x2d: {  	s15 =	sadd.s32 $0x10, s14;
	vm1 =	vgt.s32 v0, $0x0  }
0x2e: {  	v2 =	vld.msk [tilespmem:s15+$0x0 ss:$0x1], $0xffff;
	v1 =	vnsel vm1, $0x0, v0  }
0x2f: {  	v1 =	vmin.u32 v1, $0x13FF;
	_ =	sdelay $0x1  }
0x30: {  	s16 =	sshll.u32 s12, $0x6;
	s18 =	simm.s32 $0x20  }
0x31: {  	s16 =	sand.u32 $0x40, s16;
	s17 =	sadd.s32 $0x10, s15;
	s15 =	sor.u32 $0x80, s14  }
0x32: {  	s14 =	sor.u32 $0x80, s16;
	s16 =	sadd.s32 $0x10, s15;
	v0 =	vld.msk [tilespmem:s17+$0x0 ss:$0x1], $0xffff;
	vm1 =	vgt.s32 v2, $0x0;
	(ifvalue) =	ssetifvalue $0x7FFFFFFF  }
.LBB2_3:
0x33: {  	[tilespmem:s15], [sflag:$0x1] =	stream.indirect_vreg.gather [hbm4b:s4+s10], $0x1, v1, vm0, $0x4038;
	[tilespmem:$0x100] =	vst v63  }
0x34: {  	s18 =	sadd.s32 $0x10, s18  }
0x35: {  	v2 =	vnsel vm1, $0x0, v2;
	p1 =	slt.u32 s18, $0x30  }
.Ltmp3:
0x36: {  	s15 =	smov.u32 s16;
	v1 =	vmin.u32 v2, $0x13FF;
	(pc) =	sbr.rel @p1 .LBB2_3-.Ltmp3, $3  }
0x37: {  	_ =	sdelay $0x1  }
0x38: {  	s17 =	sadd.s32 $0x10, s17  }
0x39: {  	vm1 =	vgt.s32 v0, $0x0;
	s16 =	sadd.s32 $0x10, s16;
	v2 =	vmov v0;
	(ifvalue) =	ssetifvalue $0x7FFFFFFF;
	v0 =	vld.msk [tilespmem:s17+$0x0 ss:$0x1], $0xffff  }
.Ltmp4:
0x3a: {  	_ = 	snop;
	(pc) =	sbr.rel .LBB2_4-.Ltmp4, $1  }
0x3b: {  	_ =	sdelay $0x3  }
.LBB2_6:
0x3c: {  	_ =	sfence.sel $0x180000  }
0x3d: {  	s2 =	simm.s32 $0x2;
	[bflag:$0x0] =	sbarrier.arrive $0xFFFF  }
0x3e: {  	s30 =	simm.s32 $0x3;
	[sflag:s2] =	ssyncpa.u1 $0x1  }
0x3f: {  	s31 =	simm.s32 $0x1;
	[sflag:s30] =	ssyncpa.u1 $0x1  }
0x40: {  	[sflag:s31] =	ssyncpa.u1 $0x1  }
0x41: {  	p0 =	sne.s32 s0, $0x0;
	_ =	strace $0x9000004A  }
0x42: {  	s0 =	sadd.s32 @!p0 $0x100000, s1;
	[bflag:$0x2] =	sbarrier.arrive $0xFFFF  }
0x43: {  	[sflag:s0] =	ssyncadd.tile.s32 @!p0 $0x1;
	_ =	shalt  }
.Lfunc_end2:
_tile_overlayer_lowered:
.L_overlay_start_2:
0x44: {  	(tag) =	ssettag $0x2  }
0x45: {  	s0 =	rddreg [dreg:$0x0];
	s2 =	stileid.u32  }
0x46: {  	s1 =	rddreg [dreg:$0x1];
	p0 =	sne.s32 s2, $0x0  }
0x47: {  	s3 =	rddreg [dreg:$0x2];
	[bflag:$0x3] =	sbarrier.arrive $0xFFFF;
	s2 =	simm.s32 @!p0 $0x1C01  }
0x48: {  	[timem:s3], [sflag:s2] =	dma.local @!p0 [hbm:s0], s1  }
0x49: {  	s0 =	simm.s32 @!p0 $0x1  }
0x4a: {  	_ =	swait.ge @!p0 [sflag:s0], s1  }
0x4b: {  	s1 =	ssub.s32 @!p0 $0x0, s1;
	[sflag:s0] =	ssyncset.done @!p0 $0x0  }
0x4c: {  	[sflag:s0] =	ssyncadd.s32 @!p0 s1  }
0x4d: {  	[bflag:$0x3] =	sbarrier.arrive $0xFFFF  }
0x4e: {  	_ =	shalt  }

// kernel: kernel.5.cloned.1.call-start
scs
__scs_entry_jumppad:
0x0: {  	(pc) =	sbr.rel $0x88, $3  }
0x1: {  	(tag) =	ssettag $0x0;
	lr =	simm.s32 $0x1  }
0x2: {  	[smem:$0x3F9A] =	sst lr;
	_ =	strace $0xD0000000  }
0x3: {  	_ = 	snop  }
0x4: {  	_ = 	snop  }
0x5: {  	_ = 	snop  }
0x6: {  	_ = 	snop  }
0x7: {  	_ = 	snop  }
__scs_overlays_trampoline_lowered:
0x8: {  	[smem:$0x3FA9] =	sst s0  }
0x9: {  	[smem:$0x3FAA] =	sst s1  }
0xa: {  	[smem:$0x3FAB] =	sst s2  }
0xb: {  	[smem:$0x3FAC] =	sst s3  }
0xc: {  	[smem:$0x3FAD] =	sst s4  }
0xd: {  	[smem:$0x3FAE] =	sst s5  }
0xe: {  	[smem:$0x3FAF] =	sst s6  }
0xf: {  	[smem:$0x3FB0] =	sst s7  }
0x10: {  	[smem:$0x3FB1] =	sst s8  }
0x11: {  	[smem:$0x3FB2] =	sst s9;
	s0 =	simm.s32 @!p0 $0x0  }
0x12: {  	s1 =	sld [smem:$0x3F98];
	s0 =	simm.s32 @p0 $0x1  }
0x13: {  	[smem:$0x3FB3] =	sst s0;
	s0 =	simm.s32 @!p1 $0x0  }
0x14: {  	s2 =	sld [smem:$0x3F97];
	s0 =	simm.s32 @p1 $0x1  }
0x15: {  	[smem:$0x3FB4] =	sst s0;
	s0 =	simm.s32 @!p2 $0x0  }
0x16: {  	s3 =	sld [smem:$0x3FDB];
	s0 =	simm.s32 @p2 $0x1  }
0x17: {  	s4 =	simm.s32 $0x1BF5;
	[smem:$0x3FB6] =	sst s0  }
0x18: {  	s0 =	sld [smem:$0x3F99];
	_ =	swait.ge [sflag:s4], $0x0  }
0x19: {  	s7 =	sld [smem:$0x3F9A]  }
0x1a: {  	s8 =	sadd.s32 $0xFFFFE003, lr  }
0x1b: {  	s9 =	sadd.s32 $0xFFFFFEF7, lr;
	s5 =	simm.s32 $0xFFFFFFFF;
	p2 =	slt.u32 s8, $0xFFFFF086  }
0x1c: {  	p1 =	slt.u32 s9, $0xF7A;
	s5 =	simm.s32 @!p2 $0x0  }
0x1d: {  	s5 =	simm.s32 @p1 $0x1;
	p0 =	seq.s32 s7, s2  }
0x1e: {  	s7 =	smul.u32 @!p0 $0xF7A, s2;
	p2 =	seq.s32 @!p0 s5, $0x0  }
0x1f: {  	s9 =	smul.u32 $0xF7A, s1;
	s8 =	simm.s32 @!p0 $0x1BF5;
	p2 =	por !p2, p0  }
0x20: {  	[sflag:s8] =	ssyncset.s32 @!p0 $0xFFFFF086;
	s6 =	sadd.s32 @!p0 s3, s7;
	s7 =	simm.s32 @!p0 $0x108  }
0x21: {  	s3 =	sadd.s32 s3, s9;
	s6 =	sadd.s32 @!p0 $0x88, s6;
	s7 =	simm.s32 @p2 $0x1082  }
0x22: {  	[simem:s7], [sflag:s8] =	dma.local @!p0 [hbm:s6], $0xF7A  }
0x23: {  	s9 =	sor.u32 $0xD0000000, s2;
	s6 =	simm.s32 $0x108;
	_ =	swait.ge @!p0 [sflag:s8], $0x0  }
0x24: {  	s3 =	sadd.s32 $0x88, s3;
	s6 =	simm.s32 @!p1 $0x1082;
	[sflag:s4] =	ssyncset.s32 $0xFFFFF086  }
0x25: {  	[simem:s6], [sflag:s4] =	dma.local [hbm:s3], $0xF7A  }
0x26: {  	[smem:$0x3F9A] =	sst s1;
	(tag) =	ssettag s2;
	_ =	strace s9  }
0x27: {  	s1 =	sld [smem:$0x3FAA]  }
0x28: {  	s2 =	sld [smem:$0x3FAB]  }
0x29: {  	s4 =	sld [smem:$0x3FAD]  }
0x2a: {  	p0 =	seq.s32 s5, $0x0;
	s5 =	sld [smem:$0x3FAE]  }
0x2b: {  	s6 =	sld [smem:$0x3FAF]  }
0x2c: {  	s7 =	sld [smem:$0x3FB0]  }
0x2d: {  	s3 =	simm.s32 $0x108;
	s8 =	sld [smem:$0x3FB1]  }
0x2e: {  	s3 =	simm.s32 @!p0 $0x1082;
	s9 =	sld [smem:$0x3FB2]  }
0x2f: {  	lr =	sadd.s32 s0, s3;
	s0 =	sld [smem:$0x3FA9]  }
0x30: {  	s3 =	sld [smem:$0x3FAC]  }
0x31: {  	[smem:$0x3FB5] =	sst s10  }
0x32: {  	s10 =	sld [smem:$0x3FB3];
	_ =	sdelay $0x3  }
0x33: {  	p0 =	seq.s32 s10, $0x1;
	s10 =	sld [smem:$0x3FB5];
	_ =	sdelay $0x3  }
0x34: {  	[smem:$0x3FB5] =	sst s10  }
0x35: {  	s10 =	sld [smem:$0x3FB4];
	_ =	sdelay $0x3  }
0x36: {  	p1 =	seq.s32 s10, $0x1;
	s10 =	sld [smem:$0x3FB5];
	_ =	sdelay $0x3  }
0x37: {  	[smem:$0x3FB5] =	sst s10  }
0x38: {  	s10 =	sld [smem:$0x3FB6]  }
0x39: {  	_ = 	snop;
	(pc) =	sbr.ind lr, $3  }
0x3a: {  	_ = 	snop  }
0x3b: {  	_ = 	snop  }
0x3c: {  	p2 =	seq.s32 s10, $0x1;
	s10 =	sld [smem:$0x3FB5]  }
0x3d: {  	_ =	shalt  }
0x3e: {  	_ =	shalt  }
0x3f: {  	_ =	shalt  }
0x40: {  	_ =	shalt  }
0x41: {  	_ =	shalt  }
0x42: {  	_ =	shalt  }
0x43: {  	_ =	shalt  }
0x44: {  	_ =	shalt  }
0x45: {  	_ =	shalt  }
0x46: {  	_ =	shalt  }
0x47: {  	_ =	shalt  }
0x48: {  	_ =	shalt  }
0x49: {  	_ =	shalt  }
0x4a: {  	_ =	shalt  }
0x4b: {  	_ =	shalt  }
0x4c: {  	_ =	shalt  }
0x4d: {  	_ =	shalt  }
0x4e: {  	_ =	shalt  }
0x4f: {  	_ =	shalt  }
0x50: {  	_ =	shalt  }
0x51: {  	_ =	shalt  }
0x52: {  	_ =	shalt  }
0x53: {  	_ =	shalt  }
0x54: {  	_ =	shalt  }
0x55: {  	_ =	shalt  }
0x56: {  	_ =	shalt  }
0x57: {  	_ =	shalt  }
0x58: {  	_ =	shalt  }
0x59: {  	_ =	shalt  }
0x5a: {  	_ =	shalt  }
0x5b: {  	_ =	shalt  }
0x5c: {  	_ =	shalt  }
0x5d: {  	_ =	shalt  }
0x5e: {  	_ =	shalt  }
0x5f: {  	_ =	shalt  }
0x60: {  	_ =	shalt  }
0x61: {  	_ =	shalt  }
0x62: {  	_ =	shalt  }
0x63: {  	_ =	shalt  }
0x64: {  	_ =	shalt  }
0x65: {  	_ =	shalt  }
0x66: {  	_ =	shalt  }
0x67: {  	_ =	shalt  }
0x68: {  	_ =	shalt  }
0x69: {  	_ =	shalt  }
0x6a: {  	_ =	shalt  }
0x6b: {  	_ =	shalt  }
0x6c: {  	_ =	shalt  }
0x6d: {  	_ =	shalt  }
0x6e: {  	_ =	shalt  }
0x6f: {  	_ =	shalt  }
0x70: {  	_ =	shalt  }
0x71: {  	_ =	shalt  }
0x72: {  	_ =	shalt  }
0x73: {  	_ =	shalt  }
0x74: {  	_ =	shalt  }
0x75: {  	_ =	shalt  }
0x76: {  	_ =	shalt  }
0x77: {  	_ =	shalt  }
0x78: {  	_ =	shalt  }
0x79: {  	_ =	shalt  }
0x7a: {  	_ =	shalt  }
0x7b: {  	_ =	shalt  }
0x7c: {  	_ =	shalt  }
0x7d: {  	_ =	shalt  }
0x7e: {  	_ =	shalt  }
0x7f: {  	_ =	shalt  }
0x80: {  	_ =	shalt  }
0x81: {  	_ =	shalt  }
0x82: {  	_ =	shalt  }
0x83: {  	_ =	shalt  }
0x84: {  	_ =	shalt  }
0x85: {  	_ =	shalt  }
0x86: {  	_ =	shalt  }
0x87: {  	_ =	shalt  }
.Lfunc_end0:
.L_simem_size_0:
called_computation.1_lowered:
.L_overlay_start_0:
0x88: {  	s2 =	sld [smem:$0x3FD9]  }
0x89: {  	s3 =	sld [smem:$0x3FFE];
	_ =	sdelay $0x1  }
0x8a: {  	s1 =	srdreg.scid  }
0x8b: {  	s0 =	sand.u32 $0x1, s1  }
0x8c: {  	s17 =	sshll.u32 s0, $0xA;
	s2 =	sadd.s32 s3, s2  }
0x8d: {  	s2 =	sadd.s32 s2, s17  }
0x8e: {  	[smem:$0x3FC1] =	sst s2  }
0x8f: {  	_ = 	snop  }
0x90: {  	s2 =	sld [smem:$0x3FC9];
	(tm) =	ssettm $0x1  }
0x91: {  	s18 =	sld [smem:$0x3FFB];
	_ =	sdelay $0x3  }
0x92: {  	_ =	strace s18  }
0x93: {  	s3 =	sld [smem:$0x3FFC];
	_ =	sdelay $0x3  }
0x94: {  	_ =	strace s3  }
0x95: {  	s3 =	sld [smem:$0x3FFD];
	_ =	sdelay $0x3  }
0x96: {  	_ =	strace s3  }
0x97: {  	_ =	strace $0x8FFFFFFF  }
0x98: {  	s19 =	sld [smem:$0x3FDB];
	_ =	sdelay $0x1  }
0x99: {  	s4 =	simm.s32 $_scs_section_size  }
0x9a: {  	s5 =	simm.s32 $_size__tile_overlayer_lowered;
	s6 =	simm.s32 $_tile_overlayer_lowered  }
0x9b: {  	s22 =	simm.s32 $0x1BFF;
	s21 =	sshll.u32 s6, $0x1;
	s3 =	sadd.s32 s4, s19  }
0x9c: {  	s7 =	simm.s32 $0x0;
	s20 =	sshll.u32 s5, $0x1;
	s5 =	sadd.s32 s21, s3  }
0x9d: {  	[timem:s7], [sflag:s22] =	dma.local [hbm:s5], s20  }
0x9e: {  	_ =	swait.ge [sflag:s22], s20  }
0x9f: {  	s4 =	ssub.s32 $0x0, s20;
	[sflag:s22] =	ssyncset.done $0x0  }
0xa0: {  	[sflag:s22] =	ssyncadd.s32 s4;
	_ =	sdelay $0x1  }
0xa1: {  	s23 =	simm.s32 $0x1B8B  }
0xa2: {  	_ =	swait.ge [sflag:s23], $0x1  }
0xa3: {  	[sflag:s23] =	ssyncset.done $0x0  }
0xa4: {  	s25 =	simm.s32 $0x1B8E;
	s24 =	sld [smem:$0x3FFE];
	[sflag:s23] =	ssyncadd.s32 $0xFFFFFFFF  }
0xa5: {  	s26 =	simm.s32 $execute0_lowered;
	[smem:$0x3FD2] =	sst s25  }
0xa6: {  	s5 =	sshll.u32 s26, $0x1;
	_ =	strace $0x80000046;
	[dreg:$0x1] =	wrdreg $0xFFFFFFFF  }
0xa7: {  	s28 =	simm.s32 $_size_execute0_lowered;
	s3 =	sadd.s32 s3, s5;
	[dreg:$0x0] =	wrdreg $0x0  }
0xa8: {  	s5 =	sshll.u32 s28, $0x1;
	[dreg:$0x2] =	wrdreg s3  }
0xa9: {  	[dreg:$0x3] =	wrdreg s5  }
0xaa: {  	[dreg:$0x4] =	wrdreg $0xC0  }
0xab: {  	_ =	task [dreg:s7], $0x5FFFF  }
0xac: {  	[dreg:$0x1] =	wrdreg $0xFFFFFFFF  }
0xad: {  	[dreg:$0x0] =	wrdreg $0x60  }
0xae: {  	[dreg:$0x2] =	wrdreg s2  }
0xaf: {  	[dreg:$0x3] =	wrdreg s24  }
0xb0: {  	[dreg:$0x4] =	wrdreg $0x9  }
0xb1: {  	_ =	task.clear_ibuf [dreg:s7], $0x5FFFF;
	_ =	strace $0x90000046  }
0xb2: {  	s29 =	simm.s32 $0x9;
	_ =	strace $0x80000048  }
0xb3: {  	_ =	swait.ge [sflag:s29], $0x1  }
0xb4: {  	[sflag:s29] =	ssyncadd.s32 $0xFFFFFFFF  }
0xb5: {  	_ =	strace $0x90000048  }
0xb6: {  	_ =	sfence  }
0xb7: {  	s30 =	sld [smem:$0x0];
	_ =	sdelay $0x2  }
0xb8: {  	s31 =	sshll.u32 s1, $0xD;
	s1 =	sshrl.u32 s1, $0x2  }
0xb9: {  	s3 =	sand.u32 $0x4000, s31;
	s1 =	sadd.s32 s1, s30  }
0xba: {  	s0 =	sor.u32 s3, s0;
	s1 =	sshll.u32 s1, $0x11  }
0xbb: {  	s0 =	sor.u32 s1, s0  }
0xbc: {  	s0 =	sadd.s32 $0x8F2B, s0  }
0xbd: {  	[sflag:s0] =	ssyncadd.remote.s32 $0x1  }
0xbe: {  	_ =	sfence.sel $0xFFFF  }
0xbf: {  	[dreg:$0x0] =	wrdreg $0xFFFFFFFF;
	(pc) =	sbr.abs _section_cstart, $3  }
0xc0: {  	[dreg:$0x1] =	wrdreg $0xFFFFFFFF  }
0xc1: {  	_ =	task.clear_ibuf [dreg:s7], $0x2FFFF;
	_ =	strace $0x9FFFFFFF  }
0xc2: {  	(tm) =	ssettm $0x7FFFFFFF  }
0xc3: {  	_ =	shalt  }
tec
execute0_lowered:
.L_overlay_start_1:
0x0: {  	(tag) =	ssettag $0x1  }
0x1: {  	s0 =	rddreg [dreg:$0x0]  }
0x2: {  	s2 =	rddreg [dreg:$0x1];
	s3 =	srdreg.scid;
	s1 =	simm.s32 $0x0  }
0x3: {  	s8 =	stileid.u32;
	s22 =	simm.s32 $0x3;
	s23 =	simm.s32 $0x4  }
0x4: {  	s28 =	simm.s32 $0x200;
	s29 =	simm.s32 $0x1;
	s30 =	simm.s32 $0x1A00  }
0x5: {  	s31 =	simm.s32 $0x2200;
	s12 =	simm.s32 $0x3A00;
	s13 =	simm.s32 $0x4200  }
0x6: {  	s14 =	simm.s32 $0x4A00;
	s15 =	simm.s32 $0x5200;
	s16 =	simm.s32 $0x5A00  }
0x7: {  	s17 =	simm.s32 $0x6200;
	s18 =	simm.s32 $0x6A00;
	s19 =	simm.s32 $0x7200  }
0x8: {  	s20 =	simm.s32 $0x7A00;
	s11 =	simm.s32 $0x8200;
	s21 =	simm.s32 $0x8A00  }
0x9: {  	s10 =	simm.s32 $0xA200;
	s4 =	sand.u32 $0x1, s3;
	[smem:$0x7FF] =	sst s1  }
0xa: {  	s7 =	sshll.u32 s8, $0x7;
	s8 =	sshll.u32 s8, $0xF;
	s3 =	sshll.u32 s4, $0x6  }
0xb: {  	_ =	strace $0x80000047;
	s6 =	ssub.s32 $0x2, s4;
	s4 =	sshll.u32 s4, $0xE  }
0xc: {  	s5 =	sadd.s32 s3, s2;
	s3 =	sadd.s32 $0xA00, s2;
	s4 =	sor.u32 s4, s8  }
0xd: {  	s9 =	sshrl.u32 s6, $0x1;
	s5 =	sadd.s32 s7, s5;
	s4 =	sadd.s32 s0, s4  }
0xe: {  	s24 =	ssub.s32 s6, s9;
	s5 =	sadd.s32 $0x200, s5;
	[dreg:$0x7] =	wrdreg s4  }
0xf: {  	s6 =	sadd.s32 $0xC00, s2;
	s0 =	sadd.s32 $0x1000, s4;
	[dreg:$0x3] =	wrdreg s5  }
0x10: {  	s7 =	sadd.s32 $0xD00, s2;
	s25 =	sadd.s32 $0x2000, s4;
	[dreg:$0x4] =	wrdreg s0  }
0x11: {  	v2 =	vlaneseq.u32;
	s26 =	sadd.s32 $0x3000, s4;
	s8 =	smax.u32 s24, $0x1;
	[dreg:$0x5] =	wrdreg s25  }
0x12: {  	vm0 =	vmmov $0xffff;
	v1 =	vshrl.u32 v2, $0x3;
	s4 =	simm.s32 $0x2A00;
	s5 =	sadd.s32 $0xB00, s2;
	[dreg:$0x6] =	wrdreg s26  }
0x13: {  	v0 =	vand.u32 $0x7, v2;
	v2 =	vor.u32 $0x8, v2;
	v1 =	vmul.u32 $0x8, v1;
	s25 =	simm.s32 $0xA00;
	s26 =	simm.s32 $0x1200;
	s2 =	simm.s32 $0x3200  }
.LBB2_1:
0x14: {  	s24 =	rddreg [dreg:$0x3];
	s0 =	simm.s32 $0x5  }
0x15: {  	[tilespmem:s1], [sflag:$0x5] =	stream.linear.gather [hbm4b:s24+s1], $0x200, $0x38;
	[tilespmem:$0x10200] =	vst v63  }
0x16: {  	_ =	swait.ge [sflag:s0], $0x200  }
0x17: {  	[sflag:s0] =	ssyncset.done $0x0  }
0x18: {  	[sflag:s0] =	ssyncadd.s32 $0xFFFFFE00;
	s0 =	rddreg [dreg:$0x7]  }
0x19: {  	[tilespmem:s28], [sflag:$0x1] =	stream.linear.gather [hbm4b:s0+s1], $0x8000, $0x38;
	[tilespmem:$0x10200] =	vst v63  }
0x1a: {  	_ =	swait.ge [sflag:s29], $0x8000  }
0x1b: {  	[sflag:s29] =	ssyncset.done $0x0  }
0x1c: {  	[sflag:s29] =	ssyncadd.s32 $0xFFFF8000  }
0x1d: {  	v3 =	vld [tilespmem:$0x0];
	_ =	sdelay $0x4  }
0x1e: {  	v4 =	vshll.u32 v3, $0x3  }
0x1f: {  	v3 =	vand.u32 $0x7, v3;
	v4 =	vand.u32 $0xFFFFFFC0, v4  }
0x20: {  	v3 =	vor.u32 v3, v4  }
0x21: {  	v4 =	vperm.xlane v3, v0;
	_ =	sdelay $0x1  }
0x22: {  	v4 =	vadd.s32 v1, v4;
	_ =	sdelay $0x4  }
0x23: {  	[hbm4b:s3+s1] =	stream.indirect_vreg.scatter [tilespmem:s28], [sflag:$0x3], $0x80, v4, vm0, $0xb8;
	[tilespmem:$0x10200] =	vst v63  }
0x24: {  	v3 =	vperm.xlane v3, v2  }
0x25: {  	[hbm4b:s5+s1] =	stream.indirect_vreg.scatter [tilespmem:s25], [sflag:$0x3], $0x80, v4, vm0, $0xb8;
	[tilespmem:$0x10200] =	vst v63  }
0x26: {  	v3 =	vadd.s32 v1, v3  }
0x27: {  	[hbm4b:s6+s1] =	stream.indirect_vreg.scatter [tilespmem:s26], [sflag:$0x3], $0x80, v4, vm0, $0xb8;
	[tilespmem:$0x10200] =	vst v63  }
0x28: {  	_ = 	snop  }
0x29: {  	[hbm4b:s7+s1] =	stream.indirect_vreg.scatter [tilespmem:s30], [sflag:$0x3], $0x80, v4, vm0, $0xb8;
	[tilespmem:$0x10200] =	vst v63  }
0x2a: {  	_ = 	snop  }
0x2b: {  	[hbm4b:s3+s1] =	stream.indirect_vreg.scatter [tilespmem:s31], [sflag:$0x3], $0x80, v3, vm0, $0xb8;
	[tilespmem:$0x10200] =	vst v63  }
0x2c: {  	_ = 	snop  }
0x2d: {  	[hbm4b:s5+s1] =	stream.indirect_vreg.scatter [tilespmem:s4], [sflag:$0x3], $0x80, v3, vm0, $0xb8;
	[tilespmem:$0x10200] =	vst v63  }
0x2e: {  	_ = 	snop  }
0x2f: {  	[hbm4b:s6+s1] =	stream.indirect_vreg.scatter [tilespmem:s2], [sflag:$0x3], $0x80, v3, vm0, $0xb8;
	[tilespmem:$0x10200] =	vst v63  }
0x30: {  	_ = 	snop  }
0x31: {  	[hbm4b:s7+s1] =	stream.indirect_vreg.scatter [tilespmem:s12], [sflag:$0x3], $0x80, v3, vm0, $0xb8;
	[tilespmem:$0x10200] =	vst v63  }
0x32: {  	v3 =	vld [tilespmem:$0x10];
	_ =	sdelay $0x4  }
0x33: {  	v57 =	vshll.u32 v3, $0x3  }
0x34: {  	v3 =	vand.u32 $0x7, v3;
	v4 =	vand.u32 $0xFFFFFFC0, v57  }
0x35: {  	v3 =	vor.u32 v3, v4  }
0x36: {  	v4 =	vperm.xlane v3, v0;
	_ =	sdelay $0x1  }
0x37: {  	v4 =	vadd.s32 v1, v4;
	_ =	sdelay $0x4  }
0x38: {  	[hbm4b:s3+s1] =	stream.indirect_vreg.scatter [tilespmem:s13], [sflag:$0x3], $0x80, v4, vm0, $0xb8;
	[tilespmem:$0x10200] =	vst v63  }
0x39: {  	v3 =	vperm.xlane v3, v2  }
0x3a: {  	[hbm4b:s5+s1] =	stream.indirect_vreg.scatter [tilespmem:s14], [sflag:$0x3], $0x80, v4, vm0, $0xb8;
	[tilespmem:$0x10200] =	vst v63  }
0x3b: {  	v3 =	vadd.s32 v1, v3  }
0x3c: {  	[hbm4b:s6+s1] =	stream.indirect_vreg.scatter [tilespmem:s15], [sflag:$0x3], $0x80, v4, vm0, $0xb8;
	[tilespmem:$0x10200] =	vst v63  }
0x3d: {  	_ = 	snop  }
0x3e: {  	[hbm4b:s7+s1] =	stream.indirect_vreg.scatter [tilespmem:s16], [sflag:$0x3], $0x80, v4, vm0, $0xb8;
	[tilespmem:$0x10200] =	vst v63  }
0x3f: {  	_ = 	snop  }
0x40: {  	[hbm4b:s3+s1] =	stream.indirect_vreg.scatter [tilespmem:s17], [sflag:$0x3], $0x80, v3, vm0, $0xb8;
	[tilespmem:$0x10200] =	vst v63  }
0x41: {  	_ = 	snop  }
0x42: {  	[hbm4b:s5+s1] =	stream.indirect_vreg.scatter [tilespmem:s18], [sflag:$0x3], $0x80, v3, vm0, $0xb8;
	[tilespmem:$0x10200] =	vst v63  }
0x43: {  	_ = 	snop  }
0x44: {  	[hbm4b:s6+s1] =	stream.indirect_vreg.scatter [tilespmem:s19], [sflag:$0x3], $0x80, v3, vm0, $0xb8;
	[tilespmem:$0x10200] =	vst v63  }
0x45: {  	_ = 	snop  }
0x46: {  	[hbm4b:s7+s1] =	stream.indirect_vreg.scatter [tilespmem:s20], [sflag:$0x3], $0x80, v3, vm0, $0xb8;
	[tilespmem:$0x10200] =	vst v63  }
0x47: {  	s0 =	simm.s32 $0x2;
	s9 =	rddreg [dreg:$0x4]  }
0x48: {  	[tilespmem:s11], [sflag:$0x2] =	stream.linear.gather [hbm4b:s9+s1], $0x8000, $0x38;
	[tilespmem:$0x10200] =	vst v63  }
0x49: {  	_ =	swait.ge [sflag:s0], $0x8000  }
0x4a: {  	[sflag:s0] =	ssyncset.done $0x0  }
0x4b: {  	[sflag:s0] =	ssyncadd.s32 $0xFFFF8000  }
0x4c: {  	v3 =	vld [tilespmem:$0x80];
	_ =	sdelay $0x4  }
0x4d: {  	v58 =	vshll.u32 v3, $0x3  }
0x4e: {  	v3 =	vand.u32 $0x7, v3;
	v4 =	vand.u32 $0xFFFFFFC0, v58  }
0x4f: {  	v3 =	vor.u32 v3, v4  }
0x50: {  	v4 =	vperm.xlane v3, v0;
	_ =	sdelay $0x1  }
0x51: {  	v4 =	vadd.s32 v1, v4;
	_ =	sdelay $0x4  }
0x52: {  	[hbm4b:s3+s1] =	stream.indirect_vreg.scatter [tilespmem:s11], [sflag:$0x4], $0x80, v4, vm0, $0xb8;
	[tilespmem:$0x10200] =	vst v63  }
0x53: {  	v3 =	vperm.xlane v3, v2  }
0x54: {  	[hbm4b:s5+s1] =	stream.indirect_vreg.scatter [tilespmem:s21], [sflag:$0x4], $0x80, v4, vm0, $0xb8;
	[tilespmem:$0x10200] =	vst v63  }
0x55: {  	s9 =	simm.s32 $0x9200;
	v3 =	vadd.s32 v1, v3  }
0x56: {  	[hbm4b:s6+s1] =	stream.indirect_vreg.scatter [tilespmem:s9], [sflag:$0x4], $0x80, v4, vm0, $0xb8;
	[tilespmem:$0x10200] =	vst v63  }
0x57: {  	s9 =	simm.s32 $0x9A00  }
0x58: {  	[hbm4b:s7+s1] =	stream.indirect_vreg.scatter [tilespmem:s9], [sflag:$0x4], $0x80, v4, vm0, $0xb8;
	[tilespmem:$0x10200] =	vst v63  }
0x59: {  	_ = 	snop  }
0x5a: {  	[hbm4b:s3+s1] =	stream.indirect_vreg.scatter [tilespmem:s10], [sflag:$0x4], $0x80, v3, vm0, $0xb8;
	[tilespmem:$0x10200] =	vst v63  }
0x5b: {  	s24 =	simm.s32 $0xAA00  }
0x5c: {  	[hbm4b:s5+s1] =	stream.indirect_vreg.scatter [tilespmem:s24], [sflag:$0x4], $0x80, v3, vm0, $0xb8;
	[tilespmem:$0x10200] =	vst v63  }
0x5d: {  	s24 =	simm.s32 $0xB200  }
0x5e: {  	[hbm4b:s6+s1] =	stream.indirect_vreg.scatter [tilespmem:s24], [sflag:$0x4], $0x80, v3, vm0, $0xb8;
	[tilespmem:$0x10200] =	vst v63  }
0x5f: {  	s24 =	simm.s32 $0xBA00  }
0x60: {  	[hbm4b:s7+s1] =	stream.indirect_vreg.scatter [tilespmem:s24], [sflag:$0x4], $0x80, v3, vm0, $0xb8;
	[tilespmem:$0x10200] =	vst v63  }
0x61: {  	v3 =	vld [tilespmem:$0x90];
	_ =	sdelay $0x4  }
0x62: {  	v59 =	vshll.u32 v3, $0x3  }
0x63: {  	v3 =	vand.u32 $0x7, v3;
	v4 =	vand.u32 $0xFFFFFFC0, v59  }
0x64: {  	v3 =	vor.u32 v3, v4  }
0x65: {  	v4 =	vperm.xlane v3, v0;
	_ =	sdelay $0x1  }
0x66: {  	v4 =	vadd.s32 v1, v4;
	_ =	sdelay $0x3  }
0x67: {  	s24 =	simm.s32 $0xC200  }
0x68: {  	[hbm4b:s3+s1] =	stream.indirect_vreg.scatter [tilespmem:s24], [sflag:$0x4], $0x80, v4, vm0, $0xb8;
	[tilespmem:$0x10200] =	vst v63  }
0x69: {  	v3 =	vperm.xlane v3, v2;
	s24 =	simm.s32 $0xCA00  }
0x6a: {  	[hbm4b:s5+s1] =	stream.indirect_vreg.scatter [tilespmem:s24], [sflag:$0x4], $0x80, v4, vm0, $0xb8;
	[tilespmem:$0x10200] =	vst v63  }
0x6b: {  	v3 =	vadd.s32 v1, v3;
	s24 =	simm.s32 $0xD200  }
0x6c: {  	[hbm4b:s6+s1] =	stream.indirect_vreg.scatter [tilespmem:s24], [sflag:$0x4], $0x80, v4, vm0, $0xb8;
	[tilespmem:$0x10200] =	vst v63  }
0x6d: {  	s24 =	simm.s32 $0xDA00  }
0x6e: {  	[hbm4b:s7+s1] =	stream.indirect_vreg.scatter [tilespmem:s24], [sflag:$0x4], $0x80, v4, vm0, $0xb8;
	[tilespmem:$0x10200] =	vst v63  }
0x6f: {  	s24 =	simm.s32 $0xE200  }
0x70: {  	[hbm4b:s3+s1] =	stream.indirect_vreg.scatter [tilespmem:s24], [sflag:$0x4], $0x80, v3, vm0, $0xb8;
	[tilespmem:$0x10200] =	vst v63  }
0x71: {  	s24 =	simm.s32 $0xEA00  }
0x72: {  	[hbm4b:s5+s1] =	stream.indirect_vreg.scatter [tilespmem:s24], [sflag:$0x4], $0x80, v3, vm0, $0xb8;
	[tilespmem:$0x10200] =	vst v63  }
0x73: {  	s24 =	simm.s32 $0xF200  }
0x74: {  	[hbm4b:s6+s1] =	stream.indirect_vreg.scatter [tilespmem:s24], [sflag:$0x4], $0x80, v3, vm0, $0xb8;
	[tilespmem:$0x10200] =	vst v63  }
0x75: {  	s24 =	simm.s32 $0xFA00  }
0x76: {  	[hbm4b:s7+s1] =	stream.indirect_vreg.scatter [tilespmem:s24], [sflag:$0x4], $0x80, v3, vm0, $0xb8;
	[tilespmem:$0x10200] =	vst v63  }
0x77: {  	_ =	swait.ge [sflag:s22], $0x8000  }
0x78: {  	[sflag:s22] =	ssyncset.done $0x0  }
0x79: {  	s24 =	rddreg [dreg:$0x5];
	[sflag:s22] =	ssyncadd.s32 $0xFFFF8000  }
0x7a: {  	[tilespmem:s28], [sflag:$0x1] =	stream.linear.gather [hbm4b:s24+s1], $0x8000, $0x38;
	[tilespmem:$0x10200] =	vst v63  }
0x7b: {  	_ =	swait.ge [sflag:s29], $0x8000  }
0x7c: {  	[sflag:s29] =	ssyncset.done $0x0  }
0x7d: {  	[sflag:s29] =	ssyncadd.s32 $0xFFFF8000  }
0x7e: {  	v3 =	vld [tilespmem:$0x100];
	_ =	sdelay $0x4  }
0x7f: {  	v60 =	vshll.u32 v3, $0x3  }
0x80: {  	v3 =	vand.u32 $0x7, v3;
	v4 =	vand.u32 $0xFFFFFFC0, v60  }
0x81: {  	v3 =	vor.u32 v3, v4  }
0x82: {  	v4 =	vperm.xlane v3, v0;
	_ =	sdelay $0x1  }
0x83: {  	v4 =	vadd.s32 v1, v4;
	_ =	sdelay $0x4  }
0x84: {  	[hbm4b:s3+s1] =	stream.indirect_vreg.scatter [tilespmem:s28], [sflag:$0x3], $0x80, v4, vm0, $0xb8;
	[tilespmem:$0x10200] =	vst v63  }
0x85: {  	v3 =	vperm.xlane v3, v2  }
0x86: {  	[hbm4b:s5+s1] =	stream.indirect_vreg.scatter [tilespmem:s25], [sflag:$0x3], $0x80, v4, vm0, $0xb8;
	[tilespmem:$0x10200] =	vst v63  }
0x87: {  	v3 =	vadd.s32 v1, v3  }
0x88: {  	[hbm4b:s6+s1] =	stream.indirect_vreg.scatter [tilespmem:s26], [sflag:$0x3], $0x80, v4, vm0, $0xb8;
	[tilespmem:$0x10200] =	vst v63  }
0x89: {  	_ = 	snop  }
0x8a: {  	[hbm4b:s7+s1] =	stream.indirect_vreg.scatter [tilespmem:s30], [sflag:$0x3], $0x80, v4, vm0, $0xb8;
	[tilespmem:$0x10200] =	vst v63  }
0x8b: {  	_ = 	snop  }
0x8c: {  	[hbm4b:s3+s1] =	stream.indirect_vreg.scatter [tilespmem:s31], [sflag:$0x3], $0x80, v3, vm0, $0xb8;
	[tilespmem:$0x10200] =	vst v63  }
0x8d: {  	_ = 	snop  }
0x8e: {  	[hbm4b:s5+s1] =	stream.indirect_vreg.scatter [tilespmem:s4], [sflag:$0x3], $0x80, v3, vm0, $0xb8;
	[tilespmem:$0x10200] =	vst v63  }
0x8f: {  	_ = 	snop  }
0x90: {  	[hbm4b:s6+s1] =	stream.indirect_vreg.scatter [tilespmem:s2], [sflag:$0x3], $0x80, v3, vm0, $0xb8;
	[tilespmem:$0x10200] =	vst v63  }
0x91: {  	_ = 	snop  }
0x92: {  	[hbm4b:s7+s1] =	stream.indirect_vreg.scatter [tilespmem:s12], [sflag:$0x3], $0x80, v3, vm0, $0xb8;
	[tilespmem:$0x10200] =	vst v63  }
0x93: {  	v3 =	vld [tilespmem:$0x110];
	_ =	sdelay $0x4  }
0x94: {  	v61 =	vshll.u32 v3, $0x3  }
0x95: {  	v3 =	vand.u32 $0x7, v3;
	v4 =	vand.u32 $0xFFFFFFC0, v61  }
0x96: {  	v3 =	vor.u32 v3, v4  }
0x97: {  	v4 =	vperm.xlane v3, v0;
	_ =	sdelay $0x1  }
0x98: {  	v4 =	vadd.s32 v1, v4;
	_ =	sdelay $0x4  }
0x99: {  	[hbm4b:s3+s1] =	stream.indirect_vreg.scatter [tilespmem:s13], [sflag:$0x3], $0x80, v4, vm0, $0xb8;
	[tilespmem:$0x10200] =	vst v63  }
0x9a: {  	v3 =	vperm.xlane v3, v2  }
0x9b: {  	[hbm4b:s5+s1] =	stream.indirect_vreg.scatter [tilespmem:s14], [sflag:$0x3], $0x80, v4, vm0, $0xb8;
	[tilespmem:$0x10200] =	vst v63  }
0x9c: {  	v3 =	vadd.s32 v1, v3  }
0x9d: {  	[hbm4b:s6+s1] =	stream.indirect_vreg.scatter [tilespmem:s15], [sflag:$0x3], $0x80, v4, vm0, $0xb8;
	[tilespmem:$0x10200] =	vst v63  }
0x9e: {  	_ = 	snop  }
0x9f: {  	[hbm4b:s7+s1] =	stream.indirect_vreg.scatter [tilespmem:s16], [sflag:$0x3], $0x80, v4, vm0, $0xb8;
	[tilespmem:$0x10200] =	vst v63  }
0xa0: {  	_ = 	snop  }
0xa1: {  	[hbm4b:s3+s1] =	stream.indirect_vreg.scatter [tilespmem:s17], [sflag:$0x3], $0x80, v3, vm0, $0xb8;
	[tilespmem:$0x10200] =	vst v63  }
0xa2: {  	_ = 	snop  }
0xa3: {  	[hbm4b:s5+s1] =	stream.indirect_vreg.scatter [tilespmem:s18], [sflag:$0x3], $0x80, v3, vm0, $0xb8;
	[tilespmem:$0x10200] =	vst v63  }
0xa4: {  	_ = 	snop  }
0xa5: {  	[hbm4b:s6+s1] =	stream.indirect_vreg.scatter [tilespmem:s19], [sflag:$0x3], $0x80, v3, vm0, $0xb8;
	[tilespmem:$0x10200] =	vst v63  }
0xa6: {  	_ = 	snop  }
0xa7: {  	[hbm4b:s7+s1] =	stream.indirect_vreg.scatter [tilespmem:s20], [sflag:$0x3], $0x80, v3, vm0, $0xb8;
	[tilespmem:$0x10200] =	vst v63  }
0xa8: {  	_ =	swait.ge [sflag:s23], $0x8000  }
0xa9: {  	[sflag:s23] =	ssyncset.done $0x0  }
0xaa: {  	s24 =	rddreg [dreg:$0x6];
	[sflag:s23] =	ssyncadd.s32 $0xFFFF8000  }
0xab: {  	[tilespmem:s11], [sflag:$0x2] =	stream.linear.gather [hbm4b:s24+s1], $0x8000, $0x38;
	[tilespmem:$0x10200] =	vst v63  }
0xac: {  	_ =	swait.ge [sflag:s0], $0x8000  }
0xad: {  	[sflag:s0] =	ssyncset.done $0x0  }
0xae: {  	[sflag:s0] =	ssyncadd.s32 $0xFFFF8000  }
0xaf: {  	v3 =	vld [tilespmem:$0x180];
	_ =	sdelay $0x4  }
0xb0: {  	v62 =	vshll.u32 v3, $0x3  }
0xb1: {  	v3 =	vand.u32 $0x7, v3;
	v4 =	vand.u32 $0xFFFFFFC0, v62  }
0xb2: {  	v3 =	vor.u32 v3, v4  }
0xb3: {  	v4 =	vperm.xlane v3, v0;
	_ =	sdelay $0x1  }
0xb4: {  	v4 =	vadd.s32 v1, v4;
	_ =	sdelay $0x4  }
0xb5: {  	[hbm4b:s3+s1] =	stream.indirect_vreg.scatter [tilespmem:s11], [sflag:$0x4], $0x80, v4, vm0, $0xb8;
	[tilespmem:$0x10200] =	vst v63  }
0xb6: {  	v3 =	vperm.xlane v3, v2  }
0xb7: {  	[hbm4b:s5+s1] =	stream.indirect_vreg.scatter [tilespmem:s21], [sflag:$0x4], $0x80, v4, vm0, $0xb8;
	[tilespmem:$0x10200] =	vst v63  }
0xb8: {  	s24 =	simm.s32 $0x9200;
	v3 =	vadd.s32 v1, v3  }
0xb9: {  	[hbm4b:s6+s1] =	stream.indirect_vreg.scatter [tilespmem:s24], [sflag:$0x4], $0x80, v4, vm0, $0xb8;
	[tilespmem:$0x10200] =	vst v63  }
0xba: {  	_ = 	snop  }
0xbb: {  	[hbm4b:s7+s1] =	stream.indirect_vreg.scatter [tilespmem:s9], [sflag:$0x4], $0x80, v4, vm0, $0xb8;
	[tilespmem:$0x10200] =	vst v63  }
0xbc: {  	_ = 	snop  }
0xbd: {  	[hbm4b:s3+s1] =	stream.indirect_vreg.scatter [tilespmem:s10], [sflag:$0x4], $0x80, v3, vm0, $0xb8;
	[tilespmem:$0x10200] =	vst v63  }
0xbe: {  	s24 =	simm.s32 $0xAA00  }
0xbf: {  	[hbm4b:s5+s1] =	stream.indirect_vreg.scatter [tilespmem:s24], [sflag:$0x4], $0x80, v3, vm0, $0xb8;
	[tilespmem:$0x10200] =	vst v63  }
0xc0: {  	s9 =	simm.s32 $0xB200  }
0xc1: {  	[hbm4b:s6+s1] =	stream.indirect_vreg.scatter [tilespmem:s9], [sflag:$0x4], $0x80, v3, vm0, $0xb8;
	[tilespmem:$0x10200] =	vst v63  }
0xc2: {  	s24 =	simm.s32 $0xBA00  }
0xc3: {  	[hbm4b:s7+s1] =	stream.indirect_vreg.scatter [tilespmem:s24], [sflag:$0x4], $0x80, v3, vm0, $0xb8;
	[tilespmem:$0x10200] =	vst v63  }
0xc4: {  	v3 =	vld [tilespmem:$0x190];
	_ =	sdelay $0x4  }
0xc5: {  	v63 =	vshll.u32 v3, $0x3  }
0xc6: {  	v3 =	vand.u32 $0x7, v3;
	v4 =	vand.u32 $0xFFFFFFC0, v63  }
0xc7: {  	v3 =	vor.u32 v3, v4  }
0xc8: {  	v4 =	vperm.xlane v3, v0;
	_ =	sdelay $0x1  }
0xc9: {  	v4 =	vadd.s32 v1, v4;
	_ =	sdelay $0x3  }
0xca: {  	s9 =	simm.s32 $0xC200  }
0xcb: {  	[hbm4b:s3+s1] =	stream.indirect_vreg.scatter [tilespmem:s9], [sflag:$0x4], $0x80, v4, vm0, $0xb8;
	[tilespmem:$0x10200] =	vst v63  }
0xcc: {  	s24 =	simm.s32 $0xCA00;
	v3 =	vperm.xlane v3, v2  }
0xcd: {  	[hbm4b:s5+s1] =	stream.indirect_vreg.scatter [tilespmem:s24], [sflag:$0x4], $0x80, v4, vm0, $0xb8;
	[tilespmem:$0x10200] =	vst v63  }
0xce: {  	v3 =	vadd.s32 v1, v3;
	s9 =	simm.s32 $0xD200  }
0xcf: {  	[hbm4b:s6+s1] =	stream.indirect_vreg.scatter [tilespmem:s9], [sflag:$0x4], $0x80, v4, vm0, $0xb8;
	[tilespmem:$0x10200] =	vst v63  }
0xd0: {  	s24 =	simm.s32 $0xDA00  }
0xd1: {  	[hbm4b:s7+s1] =	stream.indirect_vreg.scatter [tilespmem:s24], [sflag:$0x4], $0x80, v4, vm0, $0xb8;
	[tilespmem:$0x10200] =	vst v63  }
0xd2: {  	s9 =	simm.s32 $0xE200  }
0xd3: {  	[hbm4b:s3+s1] =	stream.indirect_vreg.scatter [tilespmem:s9], [sflag:$0x4], $0x80, v3, vm0, $0xb8;
	[tilespmem:$0x10200] =	vst v63  }
0xd4: {  	s24 =	simm.s32 $0xEA00  }
0xd5: {  	[hbm4b:s5+s1] =	stream.indirect_vreg.scatter [tilespmem:s24], [sflag:$0x4], $0x80, v3, vm0, $0xb8;
	[tilespmem:$0x10200] =	vst v63  }
0xd6: {  	s9 =	simm.s32 $0xF200  }
0xd7: {  	[hbm4b:s6+s1] =	stream.indirect_vreg.scatter [tilespmem:s9], [sflag:$0x4], $0x80, v3, vm0, $0xb8;
	[tilespmem:$0x10200] =	vst v63  }
0xd8: {  	s24 =	simm.s32 $0xFA00  }
0xd9: {  	[hbm4b:s7+s1] =	stream.indirect_vreg.scatter [tilespmem:s24], [sflag:$0x4], $0x80, v3, vm0, $0xb8;
	[tilespmem:$0x10200] =	vst v63  }
0xda: {  	p0 =	sne.s32 s8, $0x1;
	_ =	swait.ge [sflag:s22], $0x8000  }
.Ltmp0:
0xdb: {  	[sflag:s22] =	ssyncset.done $0x0;
	(pc) =	sbr.rel @p0 .LBB2_1-.Ltmp0, $4  }
0xdc: {  	[sflag:s22] =	ssyncadd.s32 $0xFFFF8000  }
0xdd: {  	_ =	swait.ge [sflag:s23], $0x8000  }
0xde: {  	[sflag:s23] =	ssyncset.done $0x0  }
0xdf: {  	s8 =	sadd.s32 $0xFFFFFFFF, s8;
	[sflag:s23] =	ssyncadd.s32 $0xFFFF8000  }
0xe0: {  	_ =	sfence.sel $0x180000  }
0xe1: {  	[bflag:$0x0] =	sbarrier.arrive $0xFFFF  }
0xe2: {  	_ =	strace $0x90000047  }
0xe3: {  	s0 =	stileid.u32;
	[bflag:$0x2] =	sbarrier.arrive $0xFFFF  }
0xe4: {  	p0 =	sne.s32 s0, $0x0;
	s0 =	rddreg [dreg:$0x2]  }
0xe5: {  	s0 =	sadd.s32 @!p0 $0x100000, s0  }
0xe6: {  	[sflag:s0] =	ssyncadd.tile.s32 @!p0 $0x1;
	_ =	shalt  }
.Lfunc_end2:
_tile_overlayer_lowered:
.L_overlay_start_2:
0xe7: {  	(tag) =	ssettag $0x2  }
0xe8: {  	s0 =	rddreg [dreg:$0x0];
	s2 =	stileid.u32  }
0xe9: {  	s1 =	rddreg [dreg:$0x1];
	p0 =	sne.s32 s2, $0x0  }
0xea: {  	s3 =	rddreg [dreg:$0x2];
	[bflag:$0x3] =	sbarrier.arrive $0xFFFF;
	s2 =	simm.s32 @!p0 $0x1C05  }
0xeb: {  	[timem:s3], [sflag:s2] =	dma.local @!p0 [hbm:s0], s1  }
0xec: {  	s0 =	simm.s32 @!p0 $0x5  }
0xed: {  	_ =	swait.ge @!p0 [sflag:s0], s1  }
0xee: {  	s1 =	ssub.s32 @!p0 $0x0, s1;
	[sflag:s0] =	ssyncset.done @!p0 $0x0  }
0xef: {  	[sflag:s0] =	ssyncadd.s32 @!p0 s1  }
0xf0: {  	[bflag:$0x3] =	sbarrier.arrive $0xFFFF  }
0xf1: {  	_ =	shalt  }

</sc_bundles>
